<compile_context>
chip_gen: v7x
topology: tpu7x:2x2x1
jax: 0.10.2.dev20260603
libtpu: 0.0.44.dev20260713+nightly
codegen_flags: <defaults>
</compile_context>

<pallas_src>
import functools

import jax
import jax.numpy as jnp
from jax import lax
from jax.experimental import pallas as pl
from jax.experimental.pallas import tpu as pltpu
from jax.experimental.pallas import tpu_sc as plsc

_N = 10000
_DIM = 32
_GRAPHS = 64
_BN_EPS = 1e-3

_NCORES = 2
_NSUB = 16
_NW = _NCORES * _NSUB
_CHUNK = 128
_NACC = 10112
_RPT = _NACC // _NSUB
_DUMMY = _N


def _matmul(a, b):
    return lax.dot_general(a, b, (((1,), (0,)), ((), ())),
                           preferred_element_type=jnp.float32)



def _proj_body(x_ref, w_ref, o_ref):
    o_ref[...] = _matmul(x_ref[...], w_ref[...])


def _mid_body(y_ref, p_ref, b1_ref, w2_ref, b2_ref, g_ref, be_ref, w3_ref,
              o_ref):
    h = y_ref[...] + p_ref[0, :_N, :] + p_ref[1, :_N, :] + b1_ref[...]
    h = jnp.maximum(h, 0.0)
    z = jnp.maximum(_matmul(h, w2_ref[...]) + b2_ref[...], 0.0)
    m = jnp.mean(z, axis=0, keepdims=True)
    v = jnp.mean((z - m) ** 2, axis=0, keepdims=True)
    z = (z - m) * lax.rsqrt(v + _BN_EPS) * g_ref[...] + be_ref[...]
    x1 = jnp.maximum(z, 0.0)
    o_ref[...] = _matmul(x1, w3_ref[...])


def _head_body(y_ref, p_ref, b3_ref, w4_ref, b4_ref, g_ref, be_ref,
               batch_ref, wf1_ref, bf1_ref, wf2_ref, bf2_ref, o_ref):
    h = y_ref[...] + p_ref[0, :_N, :] + p_ref[1, :_N, :] + b3_ref[...]
    h = jnp.maximum(h, 0.0)
    z = jnp.maximum(_matmul(h, w4_ref[...]) + b4_ref[...], 0.0)
    m = jnp.mean(z, axis=0, keepdims=True)
    v = jnp.mean((z - m) ** 2, axis=0, keepdims=True)
    z = (z - m) * lax.rsqrt(v + _BN_EPS) * g_ref[...] + be_ref[...]
    x2 = jnp.maximum(z, 0.0)
    gids = lax.broadcasted_iota(jnp.int32, (_GRAPHS, _N), 0)
    onehot = (gids == batch_ref[...]).astype(jnp.float32)
    pooled = _matmul(onehot, x2)
    t = jnp.maximum(_matmul(pooled, wf1_ref[...]) + bf1_ref[...], 0.0)
    logits = _matmul(t, wf2_ref[...]) + bf2_ref[...]
    mx = jnp.max(logits, axis=-1, keepdims=True)
    e = jnp.exp(logits - mx)
    o_ref[...] = e / jnp.sum(e, axis=-1, keepdims=True)



def _make_seg_sum(nchunk):
    mesh = plsc.VectorSubcoreMesh(core_axis_name="c", subcore_axis_name="s")

    @functools.partial(
        pl.kernel,
        out_type=jax.ShapeDtypeStruct((_NCORES, _NACC, _DIM), jnp.float32),
        mesh=mesh,
        scratch_types=[
            pltpu.VMEM((nchunk, _CHUNK), jnp.int32),
            pltpu.VMEM((nchunk, _CHUNK), jnp.int32),
            pltpu.VMEM((_CHUNK, _DIM), jnp.float32),
            pltpu.VMEM_SHARED((_NACC, _DIM), jnp.float32),
        ],
        compiler_params=pltpu.CompilerParams(use_tc_tiling_on_sc=False),
    )
    def seg(y_hbm, src_hbm, dst_hbm, zeros_hbm, out_hbm,
            src_v, dst_v, rows_v, acc):
        c = lax.axis_index("c")
        s = lax.axis_index("s")
        wid = c * _NSUB + s
        r0 = pl.multiple_of(s * _RPT, 8)
        pltpu.sync_copy(zeros_hbm.at[pl.ds(r0, _RPT)],
                        acc.at[pl.ds(r0, _RPT)])
        pltpu.sync_copy(src_hbm.at[wid], src_v)
        pltpu.sync_copy(dst_hbm.at[wid], dst_v)
        plsc.subcore_barrier()

        def body(j, carry):
            pltpu.sync_copy(y_hbm.at[src_v.at[j]], rows_v)
            pltpu.sync_copy(rows_v, acc.at[dst_v.at[j]], add=True)
            return carry

        lax.fori_loop(0, nchunk, body, 0)
        plsc.subcore_barrier()
        pltpu.sync_copy(acc.at[pl.ds(r0, _RPT)],
                        out_hbm.at[c, pl.ds(r0, _RPT)])

    return seg



def kernel(node_embeddings, edge_index, batch, W1, b1, W2, b2, gamma1,
           beta1, W3, b3, W4, b4, gamma2, beta2, Wf1, bf1, Wf2, bf2):
    e = edge_index.shape[1]
    nchunk = -(-e // (_NW * _CHUNK))
    epad = _NW * nchunk * _CHUNK

    src = jnp.concatenate(
        [edge_index[0], jnp.zeros((epad - e,), jnp.int32)]
    ).reshape(_NW, nchunk, _CHUNK)
    dst = jnp.concatenate(
        [edge_index[1], jnp.full((epad - e,), _DUMMY, jnp.int32)]
    ).reshape(_NW, nchunk, _CHUNK)
    zeros = jnp.zeros((_NACC, _DIM), jnp.float32)

    seg = _make_seg_sum(nchunk)

    proj = pl.pallas_call(
        _proj_body,
        out_shape=jax.ShapeDtypeStruct((_N, _DIM), jnp.float32),
    )
    mid = pl.pallas_call(
        _mid_body,
        out_shape=jax.ShapeDtypeStruct((_N, _DIM), jnp.float32),
    )
    head = pl.pallas_call(
        _head_body,
        out_shape=jax.ShapeDtypeStruct((_GRAPHS, 2), jnp.float32),
    )

    y1 = proj(node_embeddings, W1)
    p1 = seg(y1, src, dst, zeros)
    y2 = mid(y1, p1, b1.reshape(1, -1), W2, b2.reshape(1, -1),
             gamma1.reshape(1, -1), beta1.reshape(1, -1), W3)
    p2 = seg(y2, src, dst, zeros)
    out = head(y2, p2, b3.reshape(1, -1), W4, b4.reshape(1, -1),
               gamma2.reshape(1, -1), beta2.reshape(1, -1),
               batch.reshape(1, -1), Wf1, bf1.reshape(1, -1),
               Wf2, bf2.reshape(1, -1))
    return out

# --- scband reference (transcript-rebuilt; emitter-appended) ---
"""Pipeline reference for scband-ginlayer-2869038153787 (READ-ONLY COPY).

The authoritative reference and input builder live on the scoring server;
editing this copy changes nothing except your own understanding.
"""

import jax, jax.numpy as jnp
import numpy as np

N = 10000
E = 320000
D_IN = 128
DIM = 32
NUM_CLASSES = 2
NUM_GRAPHS = 64
BN_EPS = 1e-3


def _init_params(key):
    ks = jax.random.split(key, 8)
    def dense(k, fin, fout):
        return (jax.random.normal(k, (fin, fout), dtype=jnp.float32) / np.sqrt(fin)).astype(jnp.float32)
    p = {}
    p['W1'] = dense(ks[0], D_IN, DIM); p['b1'] = jnp.zeros((DIM,), jnp.float32)
    p['W2'] = dense(ks[1], DIM, DIM); p['b2'] = jnp.zeros((DIM,), jnp.float32)
    p['gamma1'] = jnp.ones((DIM,), jnp.float32); p['beta1'] = jnp.zeros((DIM,), jnp.float32)
    p['W3'] = dense(ks[2], DIM, DIM); p['b3'] = jnp.zeros((DIM,), jnp.float32)
    p['W4'] = dense(ks[3], DIM, DIM); p['b4'] = jnp.zeros((DIM,), jnp.float32)
    p['gamma2'] = jnp.ones((DIM,), jnp.float32); p['beta2'] = jnp.zeros((DIM,), jnp.float32)
    p['Wf1'] = dense(ks[4], DIM, DIM); p['bf1'] = jnp.zeros((DIM,), jnp.float32)
    p['Wf2'] = dense(ks[5], DIM, NUM_CLASSES); p['bf2'] = jnp.zeros((NUM_CLASSES,), jnp.float32)
    return p


def setup_inputs(seed: int = 0) -> dict:
    key = jax.random.key(seed)
    k0, k1, k2, kp = jax.random.split(key, 4)
    inp = {
        'node_embeddings': jax.random.normal(k0, (N, D_IN), dtype=jnp.float32),
        'edge_index': jax.random.randint(k1, (2, E), 0, N, dtype=jnp.int32),
        'batch': jnp.sort(jax.random.randint(k2, (N,), 0, NUM_GRAPHS, dtype=jnp.int32)),
    }
    inp.update(_init_params(kp))
    return inp


def _bn_train(x, gamma, beta):
    mean = jnp.mean(x, axis=0)
    var = jnp.var(x, axis=0)
    return (x - mean) / jnp.sqrt(var + BN_EPS) * gamma + beta


def _mlp(x, W_a, b_a, W_b, b_b, gamma, beta):
    x = jax.nn.relu(x @ W_a + b_a)
    x = jax.nn.relu(x @ W_b + b_b)
    return _bn_train(x, gamma, beta)


def _gin_conv(x, edge_index, mlp_params, eps=0.0):
    src = edge_index[0]
    dst = edge_index[1]
    msgs = jnp.take(x, src, axis=0)
    agg = jax.ops.segment_sum(msgs, dst, num_segments=x.shape[0])
    h = (1.0 + eps) * x + agg
    return _mlp(h, *mlp_params)


def reference(node_embeddings, edge_index, batch, W1, b1, W2, b2, gamma1, beta1, W3, b3, W4, b4, gamma2, beta2, Wf1, bf1, Wf2, bf2):
    x = jax.nn.relu(_gin_conv(node_embeddings, edge_index, (W1, b1, W2, b2, gamma1, beta1), eps=0.0))
    x = jax.nn.relu(_gin_conv(x, edge_index, (W3, b3, W4, b4, gamma2, beta2), eps=0.0))
    # batch_read_out: sum-pool node features per graph (GIN-style sum readout)
    x = jax.ops.segment_sum(x, batch, num_segments=NUM_GRAPHS)
    x = jax.nn.relu(x @ Wf1 + bf1)
    # dropout treated as identity (deterministic reference)
    x = x @ Wf2 + bf2
    return jax.nn.softmax(x, axis=-1)

if __name__ == "__main__":
    import jax
    _d = setup_inputs()
    print(jax.jit(kernel)(*tuple(_d.values())))

</pallas_src>

<mosaic_0001>
#map = affine_map<(d0, d1) -> (0, 0)>
#map1 = affine_map<(d0, d1) -> (0, 0, 0)>
module attributes {stable_mosaic.version = 14 : i64} {
  func.func @seg(%arg0: i32, %arg1: i32, %arg2: memref<10000x32xf32, #tpu.memory_space<hbm>>, %arg3: memref<32x79x128xi32, #tpu.memory_space<hbm>>, %arg4: memref<32x79x128xi32, #tpu.memory_space<hbm>>, %arg5: memref<10112x32xf32, #tpu.memory_space<hbm>>, %arg6: memref<2x10112x32xf32, #tpu.memory_space<hbm>>, %arg7: memref<79x128xi32, #tpu.memory_space<vmem>>, %arg8: memref<79x128xi32, #tpu.memory_space<vmem>>, %arg9: memref<128x32xf32, #tpu.memory_space<vmem>>, %arg10: memref<10112x32xf32, #tpu.memory_space<vmem_shared>>) attributes {dimension_semantics = [#tpu.dimension_semantics<core_parallel>, #tpu.dimension_semantics<subcore_parallel>], iteration_bounds = array<i64: 2, 16>, scalar_prefetch = 0 : i64, scratch_operands = 4 : i64, tpu.core_type = #tpu.core_type<sc_vector_subcore>, window_params = [{transform_indices = #map}, {transform_indices = #map1}, {transform_indices = #map1}, {transform_indices = #map}, {transform_indices = #map1}]} {
    %mul3A = arith.constant 16 : i32
    %mul3A_0 = arith.muli %arg0, %mul3A : i32
    %add3A = arith.addi %mul3A_0, %arg1 : i32
    %mul3A_1 = arith.constant 632 : i32
    %mul3A_2 = arith.muli %arg1, %mul3A_1 : i32
    %multiple_of3A = tpu.assume_multiple %mul3A_2, 8 : i32
    "tpu.region"() ({
      %run_scoped3A = tpu.sem_alloc : memref<!tpu.dma_semaphore, #tpu.memory_space<semaphore_mem>>
      %dma_start3A = arith.constant 0 : i32
      %dma_start3A_9 = tpu.memref_slice %arg10[%multiple_of3A, %dma_start3A] : memref<10112x32xf32, #tpu.memory_space<vmem_shared>> -> memref<632x32xf32, #tpu.memory_space<vmem_shared>>
      %dma_start3A_10 = arith.constant 0 : i32
      %dma_start3A_11 = tpu.memref_slice %arg5[%multiple_of3A, %dma_start3A_10] : memref<10112x32xf32, #tpu.memory_space<hbm>> -> memref<632x32xf32, #tpu.memory_space<hbm>>
      tpu.enqueue_dma source(%dma_start3A_11 : memref<632x32xf32, #tpu.memory_space<hbm>>) target(%dma_start3A_9 : memref<632x32xf32, #tpu.memory_space<vmem_shared>>) target_semaphore(%run_scoped3A : memref<!tpu.dma_semaphore, #tpu.memory_space<semaphore_mem>>)
      %dma_wait3A = arith.constant 0 : i32
      %dma_wait3A_12 = tpu.memref_slice %arg10[%multiple_of3A, %dma_wait3A] : memref<10112x32xf32, #tpu.memory_space<vmem_shared>> -> memref<632x32xf32, #tpu.memory_space<vmem_shared>>
      %dma_wait3A_13 = arith.constant 0 : i32
      %dma_wait3A_14 = tpu.memref_slice %arg5[%multiple_of3A, %dma_wait3A_13] : memref<10112x32xf32, #tpu.memory_space<hbm>> -> memref<632x32xf32, #tpu.memory_space<hbm>>
      tpu.wait_dma2 semaphore(%run_scoped3A : memref<!tpu.dma_semaphore, #tpu.memory_space<semaphore_mem>>) src(%dma_wait3A_14 : memref<632x32xf32, #tpu.memory_space<hbm>>) dst(%dma_wait3A_12 : memref<632x32xf32, #tpu.memory_space<vmem_shared>>)
      tpu.yield
    }) : () -> ()
    "tpu.region"() ({
      %run_scoped3A = tpu.sem_alloc : memref<!tpu.dma_semaphore, #tpu.memory_space<semaphore_mem>>
      %dma_start3A = arith.constant 0 : i32
      %dma_start3A_9 = arith.constant 0 : i32
      %dma_start3A_10 = tpu.memref_slice %arg3[%add3A, %dma_start3A, %dma_start3A_9] : memref<32x79x128xi32, #tpu.memory_space<hbm>> -> memref<1x79x128xi32, #tpu.memory_space<hbm>>
      %dma_start3A_11 = tpu.memref_squeeze %dma_start3A_10 : memref<1x79x128xi32, #tpu.memory_space<hbm>> -> memref<79x128xi32, #tpu.memory_space<hbm>>
      %dma_start3A_12 = arith.constant 0 : i32
      %dma_start3A_13 = arith.constant 0 : i32
      %dma_start3A_14 = tpu.memref_slice %arg3[%add3A, %dma_start3A_12, %dma_start3A_13] : memref<32x79x128xi32, #tpu.memory_space<hbm>> -> memref<1x79x128xi32, #tpu.memory_space<hbm>>
      %dma_start3A_15 = tpu.memref_squeeze %dma_start3A_14 : memref<1x79x128xi32, #tpu.memory_space<hbm>> -> memref<79x128xi32, #tpu.memory_space<hbm>>
      tpu.enqueue_dma source(%dma_start3A_15 : memref<79x128xi32, #tpu.memory_space<hbm>>) target(%arg7 : memref<79x128xi32, #tpu.memory_space<vmem>>) target_semaphore(%run_scoped3A : memref<!tpu.dma_semaphore, #tpu.memory_space<semaphore_mem>>)
      %dma_wait3A = arith.constant 0 : i32
      %dma_wait3A_16 = arith.constant 0 : i32
      %dma_wait3A_17 = tpu.memref_slice %arg3[%add3A, %dma_wait3A, %dma_wait3A_16] : memref<32x79x128xi32, #tpu.memory_space<hbm>> -> memref<1x79x128xi32, #tpu.memory_space<hbm>>
      %dma_wait3A_18 = tpu.memref_squeeze %dma_wait3A_17 : memref<1x79x128xi32, #tpu.memory_space<hbm>> -> memref<79x128xi32, #tpu.memory_space<hbm>>
      %dma_wait3A_19 = arith.constant 0 : i32
      %dma_wait3A_20 = arith.constant 0 : i32
      %dma_wait3A_21 = tpu.memref_slice %arg3[%add3A, %dma_wait3A_19, %dma_wait3A_20] : memref<32x79x128xi32, #tpu.memory_space<hbm>> -> memref<1x79x128xi32, #tpu.memory_space<hbm>>
      %dma_wait3A_22 = tpu.memref_squeeze %dma_wait3A_21 : memref<1x79x128xi32, #tpu.memory_space<hbm>> -> memref<79x128xi32, #tpu.memory_space<hbm>>
      tpu.wait_dma2 semaphore(%run_scoped3A : memref<!tpu.dma_semaphore, #tpu.memory_space<semaphore_mem>>) src(%dma_wait3A_22 : memref<79x128xi32, #tpu.memory_space<hbm>>) dst(%arg7 : memref<79x128xi32, #tpu.memory_space<vmem>>)
      tpu.yield
    }) : () -> ()
    "tpu.region"() ({
      %run_scoped3A = tpu.sem_alloc : memref<!tpu.dma_semaphore, #tpu.memory_space<semaphore_mem>>
      %dma_start3A = arith.constant 0 : i32
      %dma_start3A_9 = arith.constant 0 : i32
      %dma_start3A_10 = tpu.memref_slice %arg4[%add3A, %dma_start3A, %dma_start3A_9] : memref<32x79x128xi32, #tpu.memory_space<hbm>> -> memref<1x79x128xi32, #tpu.memory_space<hbm>>
      %dma_start3A_11 = tpu.memref_squeeze %dma_start3A_10 : memref<1x79x128xi32, #tpu.memory_space<hbm>> -> memref<79x128xi32, #tpu.memory_space<hbm>>
      %dma_start3A_12 = arith.constant 0 : i32
      %dma_start3A_13 = arith.constant 0 : i32
      %dma_start3A_14 = tpu.memref_slice %arg4[%add3A, %dma_start3A_12, %dma_start3A_13] : memref<32x79x128xi32, #tpu.memory_space<hbm>> -> memref<1x79x128xi32, #tpu.memory_space<hbm>>
      %dma_start3A_15 = tpu.memref_squeeze %dma_start3A_14 : memref<1x79x128xi32, #tpu.memory_space<hbm>> -> memref<79x128xi32, #tpu.memory_space<hbm>>
      tpu.enqueue_dma source(%dma_start3A_15 : memref<79x128xi32, #tpu.memory_space<hbm>>) target(%arg8 : memref<79x128xi32, #tpu.memory_space<vmem>>) target_semaphore(%run_scoped3A : memref<!tpu.dma_semaphore, #tpu.memory_space<semaphore_mem>>)
      %dma_wait3A = arith.constant 0 : i32
      %dma_wait3A_16 = arith.constant 0 : i32
      %dma_wait3A_17 = tpu.memref_slice %arg4[%add3A, %dma_wait3A, %dma_wait3A_16] : memref<32x79x128xi32, #tpu.memory_space<hbm>> -> memref<1x79x128xi32, #tpu.memory_space<hbm>>
      %dma_wait3A_18 = tpu.memref_squeeze %dma_wait3A_17 : memref<1x79x128xi32, #tpu.memory_space<hbm>> -> memref<79x128xi32, #tpu.memory_space<hbm>>
      %dma_wait3A_19 = arith.constant 0 : i32
      %dma_wait3A_20 = arith.constant 0 : i32
      %dma_wait3A_21 = tpu.memref_slice %arg4[%add3A, %dma_wait3A_19, %dma_wait3A_20] : memref<32x79x128xi32, #tpu.memory_space<hbm>> -> memref<1x79x128xi32, #tpu.memory_space<hbm>>
      %dma_wait3A_22 = tpu.memref_squeeze %dma_wait3A_21 : memref<1x79x128xi32, #tpu.memory_space<hbm>> -> memref<79x128xi32, #tpu.memory_space<hbm>>
      tpu.wait_dma2 semaphore(%run_scoped3A : memref<!tpu.dma_semaphore, #tpu.memory_space<semaphore_mem>>) src(%dma_wait3A_22 : memref<79x128xi32, #tpu.memory_space<hbm>>) dst(%arg8 : memref<79x128xi32, #tpu.memory_space<vmem>>)
      tpu.yield
    }) : () -> ()
    %barrier3A = arith.constant 0 : index
    tpu.barrier barrier_id(%barrier3A)
    %scan3A = arith.constant 0 : i32
    %scan3A_3 = arith.constant 0 : i32
    %scan3A_4 = arith.constant 79 : i32
    %scan3A_5 = arith.addi %scan3A_3, %scan3A_4 : i32
    %scan3A_6 = arith.constant 1 : i32
    scf.for %scan3A_9 = %scan3A_3 to %scan3A_5 step %scan3A_6  : i32 {
      "tpu.region"() ({
        %run_scoped3A = tpu.sem_alloc : memref<!tpu.dma_semaphore, #tpu.memory_space<semaphore_mem>>
        %dma_start3A = arith.constant 0 : i32
        %dma_start3A_10 = tpu.memref_slice %arg7[%scan3A_9, %dma_start3A] : memref<79x128xi32, #tpu.memory_space<vmem>> -> memref<1x128xi32, #tpu.memory_space<vmem>>
        %dma_start3A_11 = tpu.memref_squeeze %dma_start3A_10 : memref<1x128xi32, #tpu.memory_space<vmem>> -> memref<128xi32, #tpu.memory_space<vmem>>
        %dma_start3A_12 = arith.constant 0 : i32
        %dma_start3A_13 = arith.constant 0 : i32
        %dma_start3A_14 = tpu.memref_slice %arg2[%dma_start3A_12, %dma_start3A_13] : memref<10000x32xf32, #tpu.memory_space<hbm>> -> memref<10000x32xf32, #tpu.memory_space<hbm>>
        tpu.enqueue_indirect_dma source(%dma_start3A_14 : memref<10000x32xf32, #tpu.memory_space<hbm>>) target(%arg9 : memref<128x32xf32, #tpu.memory_space<vmem>>) offsets(%dma_start3A_11 : memref<128xi32, #tpu.memory_space<vmem>>) semaphore(%run_scoped3A : memref<!tpu.dma_semaphore, #tpu.memory_space<semaphore_mem>>)
        %dma_wait3A = arith.constant 0 : i32
        %dma_wait3A_15 = tpu.memref_slice %arg7[%scan3A_9, %dma_wait3A] : memref<79x128xi32, #tpu.memory_space<vmem>> -> memref<1x128xi32, #tpu.memory_space<vmem>>
        %dma_wait3A_16 = tpu.memref_squeeze %dma_wait3A_15 : memref<1x128xi32, #tpu.memory_space<vmem>> -> memref<128xi32, #tpu.memory_space<vmem>>
        %dma_wait3A_17 = arith.constant 0 : i32
        %dma_wait3A_18 = arith.constant 0 : i32
        %dma_wait3A_19 = tpu.memref_slice %arg2[%dma_wait3A_17, %dma_wait3A_18] : memref<10000x32xf32, #tpu.memory_space<hbm>> -> memref<10000x32xf32, #tpu.memory_space<hbm>>
        tpu.wait_indirect_dma semaphore(%run_scoped3A : memref<!tpu.dma_semaphore, #tpu.memory_space<semaphore_mem>>) src(%dma_wait3A_19 : memref<10000x32xf32, #tpu.memory_space<hbm>>) dst(%arg9 : memref<128x32xf32, #tpu.memory_space<vmem>>)
        tpu.yield
      }) : () -> ()
      "tpu.region"() ({
        %run_scoped3A = tpu.sem_alloc : memref<!tpu.dma_semaphore, #tpu.memory_space<semaphore_mem>>
        %dma_start3A = arith.constant 0 : i32
        %dma_start3A_10 = tpu.memref_slice %arg8[%scan3A_9, %dma_start3A] : memref<79x128xi32, #tpu.memory_space<vmem>> -> memref<1x128xi32, #tpu.memory_space<vmem>>
        %dma_start3A_11 = tpu.memref_squeeze %dma_start3A_10 : memref<1x128xi32, #tpu.memory_space<vmem>> -> memref<128xi32, #tpu.memory_space<vmem>>
        %dma_start3A_12 = arith.constant 0 : i32
        %dma_start3A_13 = arith.constant 0 : i32
        %dma_start3A_14 = tpu.memref_slice %arg10[%dma_start3A_12, %dma_start3A_13] : memref<10112x32xf32, #tpu.memory_space<vmem_shared>> -> memref<10112x32xf32, #tpu.memory_space<vmem_shared>>
        tpu.enqueue_indirect_dma source(%arg9 : memref<128x32xf32, #tpu.memory_space<vmem>>) target(%dma_start3A_14 : memref<10112x32xf32, #tpu.memory_space<vmem_shared>>) offsets(%dma_start3A_11 : memref<128xi32, #tpu.memory_space<vmem>>) semaphore(%run_scoped3A : memref<!tpu.dma_semaphore, #tpu.memory_space<semaphore_mem>>) {add = true}
        %dma_wait3A = arith.constant 0 : i32
        %dma_wait3A_15 = tpu.memref_slice %arg8[%scan3A_9, %dma_wait3A] : memref<79x128xi32, #tpu.memory_space<vmem>> -> memref<1x128xi32, #tpu.memory_space<vmem>>
        %dma_wait3A_16 = tpu.memref_squeeze %dma_wait3A_15 : memref<1x128xi32, #tpu.memory_space<vmem>> -> memref<128xi32, #tpu.memory_space<vmem>>
        %dma_wait3A_17 = arith.constant 0 : i32
        %dma_wait3A_18 = arith.constant 0 : i32
        %dma_wait3A_19 = tpu.memref_slice %arg10[%dma_wait3A_17, %dma_wait3A_18] : memref<10112x32xf32, #tpu.memory_space<vmem_shared>> -> memref<10112x32xf32, #tpu.memory_space<vmem_shared>>
        tpu.wait_indirect_dma semaphore(%run_scoped3A : memref<!tpu.dma_semaphore, #tpu.memory_space<semaphore_mem>>) src(%arg9 : memref<128x32xf32, #tpu.memory_space<vmem>>) dst(%dma_wait3A_19 : memref<10112x32xf32, #tpu.memory_space<vmem_shared>>)
        tpu.yield
      }) : () -> ()
    }
    %scan3A_7 = arith.constant 79 : i32
    %barrier3A_8 = arith.constant 0 : index
    tpu.barrier barrier_id(%barrier3A_8)
    "tpu.region"() ({
      %run_scoped3A = tpu.sem_alloc : memref<!tpu.dma_semaphore, #tpu.memory_space<semaphore_mem>>
      %dma_start3A = arith.constant 0 : i32
      %dma_start3A_9 = tpu.memref_slice %arg6[%arg0, %multiple_of3A, %dma_start3A] : memref<2x10112x32xf32, #tpu.memory_space<hbm>> -> memref<1x632x32xf32, #tpu.memory_space<hbm>>
      %dma_start3A_10 = tpu.memref_squeeze %dma_start3A_9 : memref<1x632x32xf32, #tpu.memory_space<hbm>> -> memref<632x32xf32, #tpu.memory_space<hbm>>
      %dma_start3A_11 = arith.constant 0 : i32
      %dma_start3A_12 = tpu.memref_slice %arg10[%multiple_of3A, %dma_start3A_11] : memref<10112x32xf32, #tpu.memory_space<vmem_shared>> -> memref<632x32xf32, #tpu.memory_space<vmem_shared>>
      tpu.enqueue_dma source(%dma_start3A_12 : memref<632x32xf32, #tpu.memory_space<vmem_shared>>) target(%dma_start3A_10 : memref<632x32xf32, #tpu.memory_space<hbm>>) target_semaphore(%run_scoped3A : memref<!tpu.dma_semaphore, #tpu.memory_space<semaphore_mem>>)
      %dma_wait3A = arith.constant 0 : i32
      %dma_wait3A_13 = tpu.memref_slice %arg6[%arg0, %multiple_of3A, %dma_wait3A] : memref<2x10112x32xf32, #tpu.memory_space<hbm>> -> memref<1x632x32xf32, #tpu.memory_space<hbm>>
      %dma_wait3A_14 = tpu.memref_squeeze %dma_wait3A_13 : memref<1x632x32xf32, #tpu.memory_space<hbm>> -> memref<632x32xf32, #tpu.memory_space<hbm>>
      %dma_wait3A_15 = arith.constant 0 : i32
      %dma_wait3A_16 = tpu.memref_slice %arg10[%multiple_of3A, %dma_wait3A_15] : memref<10112x32xf32, #tpu.memory_space<vmem_shared>> -> memref<632x32xf32, #tpu.memory_space<vmem_shared>>
      tpu.wait_dma2 semaphore(%run_scoped3A : memref<!tpu.dma_semaphore, #tpu.memory_space<semaphore_mem>>) src(%dma_wait3A_16 : memref<632x32xf32, #tpu.memory_space<vmem_shared>>) dst(%dma_wait3A_14 : memref<632x32xf32, #tpu.memory_space<hbm>>)
      tpu.yield
    }) : () -> ()
    return
  }
}

#map = affine_map<(d0, d1) -> (0, 0)>
#map1 = affine_map<(d0, d1) -> (0, 0, 0)>
module attributes {stable_mosaic.version = 14 : i64} {
  func.func @seg(%arg0: i32, %arg1: i32, %arg2: memref<10000x32xf32, #tpu.memory_space<hbm>>, %arg3: memref<32x79x128xi32, #tpu.memory_space<hbm>>, %arg4: memref<32x79x128xi32, #tpu.memory_space<hbm>>, %arg5: memref<10112x32xf32, #tpu.memory_space<hbm>>, %arg6: memref<2x10112x32xf32, #tpu.memory_space<hbm>>, %arg7: memref<79x128xi32, #tpu.memory_space<vmem>>, %arg8: memref<79x128xi32, #tpu.memory_space<vmem>>, %arg9: memref<128x32xf32, #tpu.memory_space<vmem>>, %arg10: memref<10112x32xf32, #tpu.memory_space<vmem_shared>>) attributes {dimension_semantics = [#tpu.dimension_semantics<core_parallel>, #tpu.dimension_semantics<subcore_parallel>], iteration_bounds = array<i64: 2, 16>, scalar_prefetch = 0 : i64, scratch_operands = 4 : i64, tpu.core_type = #tpu.core_type<sc_vector_subcore>, window_params = [{transform_indices = #map}, {transform_indices = #map1}, {transform_indices = #map1}, {transform_indices = #map}, {transform_indices = #map1}]} {
    %mul3A = arith.constant 16 : i32
    %mul3A_0 = arith.muli %arg0, %mul3A : i32
    %add3A = arith.addi %mul3A_0, %arg1 : i32
    %mul3A_1 = arith.constant 632 : i32
    %mul3A_2 = arith.muli %arg1, %mul3A_1 : i32
    %multiple_of3A = tpu.assume_multiple %mul3A_2, 8 : i32
    "tpu.region"() ({
      %run_scoped3A = tpu.sem_alloc : memref<!tpu.dma_semaphore, #tpu.memory_space<semaphore_mem>>
      %dma_start3A = arith.constant 0 : i32
      %dma_start3A_9 = tpu.memref_slice %arg10[%multiple_of3A, %dma_start3A] : memref<10112x32xf32, #tpu.memory_space<vmem_shared>> -> memref<632x32xf32, #tpu.memory_space<vmem_shared>>
      %dma_start3A_10 = arith.constant 0 : i32
      %dma_start3A_11 = tpu.memref_slice %arg5[%multiple_of3A, %dma_start3A_10] : memref<10112x32xf32, #tpu.memory_space<hbm>> -> memref<632x32xf32, #tpu.memory_space<hbm>>
      tpu.enqueue_dma source(%dma_start3A_11 : memref<632x32xf32, #tpu.memory_space<hbm>>) target(%dma_start3A_9 : memref<632x32xf32, #tpu.memory_space<vmem_shared>>) target_semaphore(%run_scoped3A : memref<!tpu.dma_semaphore, #tpu.memory_space<semaphore_mem>>)
      %dma_wait3A = arith.constant 0 : i32
      %dma_wait3A_12 = tpu.memref_slice %arg10[%multiple_of3A, %dma_wait3A] : memref<10112x32xf32, #tpu.memory_space<vmem_shared>> -> memref<632x32xf32, #tpu.memory_space<vmem_shared>>
      %dma_wait3A_13 = arith.constant 0 : i32
      %dma_wait3A_14 = tpu.memref_slice %arg5[%multiple_of3A, %dma_wait3A_13] : memref<10112x32xf32, #tpu.memory_space<hbm>> -> memref<632x32xf32, #tpu.memory_space<hbm>>
      tpu.wait_dma2 semaphore(%run_scoped3A : memref<!tpu.dma_semaphore, #tpu.memory_space<semaphore_mem>>) src(%dma_wait3A_14 : memref<632x32xf32, #tpu.memory_space<hbm>>) dst(%dma_wait3A_12 : memref<632x32xf32, #tpu.memory_space<vmem_shared>>)
      tpu.yield
    }) : () -> ()
    "tpu.region"() ({
      %run_scoped3A = tpu.sem_alloc : memref<!tpu.dma_semaphore, #tpu.memory_space<semaphore_mem>>
      %dma_start3A = arith.constant 0 : i32
      %dma_start3A_9 = arith.constant 0 : i32
      %dma_start3A_10 = tpu.memref_slice %arg3[%add3A, %dma_start3A, %dma_start3A_9] : memref<32x79x128xi32, #tpu.memory_space<hbm>> -> memref<1x79x128xi32, #tpu.memory_space<hbm>>
      %dma_start3A_11 = tpu.memref_squeeze %dma_start3A_10 : memref<1x79x128xi32, #tpu.memory_space<hbm>> -> memref<79x128xi32, #tpu.memory_space<hbm>>
      %dma_start3A_12 = arith.constant 0 : i32
      %dma_start3A_13 = arith.constant 0 : i32
      %dma_start3A_14 = tpu.memref_slice %arg3[%add3A, %dma_start3A_12, %dma_start3A_13] : memref<32x79x128xi32, #tpu.memory_space<hbm>> -> memref<1x79x128xi32, #tpu.memory_space<hbm>>
      %dma_start3A_15 = tpu.memref_squeeze %dma_start3A_14 : memref<1x79x128xi32, #tpu.memory_space<hbm>> -> memref<79x128xi32, #tpu.memory_space<hbm>>
      tpu.enqueue_dma source(%dma_start3A_15 : memref<79x128xi32, #tpu.memory_space<hbm>>) target(%arg7 : memref<79x128xi32, #tpu.memory_space<vmem>>) target_semaphore(%run_scoped3A : memref<!tpu.dma_semaphore, #tpu.memory_space<semaphore_mem>>)
      %dma_wait3A = arith.constant 0 : i32
      %dma_wait3A_16 = arith.constant 0 : i32
      %dma_wait3A_17 = tpu.memref_slice %arg3[%add3A, %dma_wait3A, %dma_wait3A_16] : memref<32x79x128xi32, #tpu.memory_space<hbm>> -> memref<1x79x128xi32, #tpu.memory_space<hbm>>
      %dma_wait3A_18 = tpu.memref_squeeze %dma_wait3A_17 : memref<1x79x128xi32, #tpu.memory_space<hbm>> -> memref<79x128xi32, #tpu.memory_space<hbm>>
      %dma_wait3A_19 = arith.constant 0 : i32
      %dma_wait3A_20 = arith.constant 0 : i32
      %dma_wait3A_21 = tpu.memref_slice %arg3[%add3A, %dma_wait3A_19, %dma_wait3A_20] : memref<32x79x128xi32, #tpu.memory_space<hbm>> -> memref<1x79x128xi32, #tpu.memory_space<hbm>>
      %dma_wait3A_22 = tpu.memref_squeeze %dma_wait3A_21 : memref<1x79x128xi32, #tpu.memory_space<hbm>> -> memref<79x128xi32, #tpu.memory_space<hbm>>
      tpu.wait_dma2 semaphore(%run_scoped3A : memref<!tpu.dma_semaphore, #tpu.memory_space<semaphore_mem>>) src(%dma_wait3A_22 : memref<79x128xi32, #tpu.memory_space<hbm>>) dst(%arg7 : memref<79x128xi32, #tpu.memory_space<vmem>>)
      tpu.yield
    }) : () -> ()
    "tpu.region"() ({
      %run_scoped3A = tpu.sem_alloc : memref<!tpu.dma_semaphore, #tpu.memory_space<semaphore_mem>>
      %dma_start3A = arith.constant 0 : i32
      %dma_start3A_9 = arith.constant 0 : i32
      %dma_start3A_10 = tpu.memref_slice %arg4[%add3A, %dma_start3A, %dma_start3A_9] : memref<32x79x128xi32, #tpu.memory_space<hbm>> -> memref<1x79x128xi32, #tpu.memory_space<hbm>>
      %dma_start3A_11 = tpu.memref_squeeze %dma_start3A_10 : memref<1x79x128xi32, #tpu.memory_space<hbm>> -> memref<79x128xi32, #tpu.memory_space<hbm>>
      %dma_start3A_12 = arith.constant 0 : i32
      %dma_start3A_13 = arith.constant 0 : i32
      %dma_start3A_14 = tpu.memref_slice %arg4[%add3A, %dma_start3A_12, %dma_start3A_13] : memref<32x79x128xi32, #tpu.memory_space<hbm>> -> memref<1x79x128xi32, #tpu.memory_space<hbm>>
      %dma_start3A_15 = tpu.memref_squeeze %dma_start3A_14 : memref<1x79x128xi32, #tpu.memory_space<hbm>> -> memref<79x128xi32, #tpu.memory_space<hbm>>
      tpu.enqueue_dma source(%dma_start3A_15 : memref<79x128xi32, #tpu.memory_space<hbm>>) target(%arg8 : memref<79x128xi32, #tpu.memory_space<vmem>>) target_semaphore(%run_scoped3A : memref<!tpu.dma_semaphore, #tpu.memory_space<semaphore_mem>>)
      %dma_wait3A = arith.constant 0 : i32
      %dma_wait3A_16 = arith.constant 0 : i32
      %dma_wait3A_17 = tpu.memref_slice %arg4[%add3A, %dma_wait3A, %dma_wait3A_16] : memref<32x79x128xi32, #tpu.memory_space<hbm>> -> memref<1x79x128xi32, #tpu.memory_space<hbm>>
      %dma_wait3A_18 = tpu.memref_squeeze %dma_wait3A_17 : memref<1x79x128xi32, #tpu.memory_space<hbm>> -> memref<79x128xi32, #tpu.memory_space<hbm>>
      %dma_wait3A_19 = arith.constant 0 : i32
      %dma_wait3A_20 = arith.constant 0 : i32
      %dma_wait3A_21 = tpu.memref_slice %arg4[%add3A, %dma_wait3A_19, %dma_wait3A_20] : memref<32x79x128xi32, #tpu.memory_space<hbm>> -> memref<1x79x128xi32, #tpu.memory_space<hbm>>
      %dma_wait3A_22 = tpu.memref_squeeze %dma_wait3A_21 : memref<1x79x128xi32, #tpu.memory_space<hbm>> -> memref<79x128xi32, #tpu.memory_space<hbm>>
      tpu.wait_dma2 semaphore(%run_scoped3A : memref<!tpu.dma_semaphore, #tpu.memory_space<semaphore_mem>>) src(%dma_wait3A_22 : memref<79x128xi32, #tpu.memory_space<hbm>>) dst(%arg8 : memref<79x128xi32, #tpu.memory_space<vmem>>)
      tpu.yield
    }) : () -> ()
    %barrier3A = arith.constant 0 : index
    tpu.barrier barrier_id(%barrier3A)
    %scan3A = arith.constant 0 : i32
    %scan3A_3 = arith.constant 0 : i32
    %scan3A_4 = arith.constant 79 : i32
    %scan3A_5 = arith.addi %scan3A_3, %scan3A_4 : i32
    %scan3A_6 = arith.constant 1 : i32
    scf.for %scan3A_9 = %scan3A_3 to %scan3A_5 step %scan3A_6  : i32 {
      "tpu.region"() ({
        %run_scoped3A = tpu.sem_alloc : memref<!tpu.dma_semaphore, #tpu.memory_space<semaphore_mem>>
        %dma_start3A = arith.constant 0 : i32
        %dma_start3A_10 = tpu.memref_slice %arg7[%scan3A_9, %dma_start3A] : memref<79x128xi32, #tpu.memory_space<vmem>> -> memref<1x128xi32, #tpu.memory_space<vmem>>
        %dma_start3A_11 = tpu.memref_squeeze %dma_start3A_10 : memref<1x128xi32, #tpu.memory_space<vmem>> -> memref<128xi32, #tpu.memory_space<vmem>>
        %dma_start3A_12 = arith.constant 0 : i32
        %dma_start3A_13 = arith.constant 0 : i32
        %dma_start3A_14 = tpu.memref_slice %arg2[%dma_start3A_12, %dma_start3A_13] : memref<10000x32xf32, #tpu.memory_space<hbm>> -> memref<10000x32xf32, #tpu.memory_space<hbm>>
        tpu.enqueue_indirect_dma source(%dma_start3A_14 : memref<10000x32xf32, #tpu.memory_space<hbm>>) target(%arg9 : memref<128x32xf32, #tpu.memory_space<vmem>>) offsets(%dma_start3A_11 : memref<128xi32, #tpu.memory_space<vmem>>) semaphore(%run_scoped3A : memref<!tpu.dma_semaphore, #tpu.memory_space<semaphore_mem>>)
        %dma_wait3A = arith.constant 0 : i32
        %dma_wait3A_15 = tpu.memref_slice %arg7[%scan3A_9, %dma_wait3A] : memref<79x128xi32, #tpu.memory_space<vmem>> -> memref<1x128xi32, #tpu.memory_space<vmem>>
        %dma_wait3A_16 = tpu.memref_squeeze %dma_wait3A_15 : memref<1x128xi32, #tpu.memory_space<vmem>> -> memref<128xi32, #tpu.memory_space<vmem>>
        %dma_wait3A_17 = arith.constant 0 : i32
        %dma_wait3A_18 = arith.constant 0 : i32
        %dma_wait3A_19 = tpu.memref_slice %arg2[%dma_wait3A_17, %dma_wait3A_18] : memref<10000x32xf32, #tpu.memory_space<hbm>> -> memref<10000x32xf32, #tpu.memory_space<hbm>>
        tpu.wait_indirect_dma semaphore(%run_scoped3A : memref<!tpu.dma_semaphore, #tpu.memory_space<semaphore_mem>>) src(%dma_wait3A_19 : memref<10000x32xf32, #tpu.memory_space<hbm>>) dst(%arg9 : memref<128x32xf32, #tpu.memory_space<vmem>>)
        tpu.yield
      }) : () -> ()
      "tpu.region"() ({
        %run_scoped3A = tpu.sem_alloc : memref<!tpu.dma_semaphore, #tpu.memory_space<semaphore_mem>>
        %dma_start3A = arith.constant 0 : i32
        %dma_start3A_10 = tpu.memref_slice %arg8[%scan3A_9, %dma_start3A] : memref<79x128xi32, #tpu.memory_space<vmem>> -> memref<1x128xi32, #tpu.memory_space<vmem>>
        %dma_start3A_11 = tpu.memref_squeeze %dma_start3A_10 : memref<1x128xi32, #tpu.memory_space<vmem>> -> memref<128xi32, #tpu.memory_space<vmem>>
        %dma_start3A_12 = arith.constant 0 : i32
        %dma_start3A_13 = arith.constant 0 : i32
        %dma_start3A_14 = tpu.memref_slice %arg10[%dma_start3A_12, %dma_start3A_13] : memref<10112x32xf32, #tpu.memory_space<vmem_shared>> -> memref<10112x32xf32, #tpu.memory_space<vmem_shared>>
        tpu.enqueue_indirect_dma source(%arg9 : memref<128x32xf32, #tpu.memory_space<vmem>>) target(%dma_start3A_14 : memref<10112x32xf32, #tpu.memory_space<vmem_shared>>) offsets(%dma_start3A_11 : memref<128xi32, #tpu.memory_space<vmem>>) semaphore(%run_scoped3A : memref<!tpu.dma_semaphore, #tpu.memory_space<semaphore_mem>>) {add = true}
        %dma_wait3A = arith.constant 0 : i32
        %dma_wait3A_15 = tpu.memref_slice %arg8[%scan3A_9, %dma_wait3A] : memref<79x128xi32, #tpu.memory_space<vmem>> -> memref<1x128xi32, #tpu.memory_space<vmem>>
        %dma_wait3A_16 = tpu.memref_squeeze %dma_wait3A_15 : memref<1x128xi32, #tpu.memory_space<vmem>> -> memref<128xi32, #tpu.memory_space<vmem>>
        %dma_wait3A_17 = arith.constant 0 : i32
        %dma_wait3A_18 = arith.constant 0 : i32
        %dma_wait3A_19 = tpu.memref_slice %arg10[%dma_wait3A_17, %dma_wait3A_18] : memref<10112x32xf32, #tpu.memory_space<vmem_shared>> -> memref<10112x32xf32, #tpu.memory_space<vmem_shared>>
        tpu.wait_indirect_dma semaphore(%run_scoped3A : memref<!tpu.dma_semaphore, #tpu.memory_space<semaphore_mem>>) src(%arg9 : memref<128x32xf32, #tpu.memory_space<vmem>>) dst(%dma_wait3A_19 : memref<10112x32xf32, #tpu.memory_space<vmem_shared>>)
        tpu.yield
      }) : () -> ()
    }
    %scan3A_7 = arith.constant 79 : i32
    %barrier3A_8 = arith.constant 0 : index
    tpu.barrier barrier_id(%barrier3A_8)
    "tpu.region"() ({
      %run_scoped3A = tpu.sem_alloc : memref<!tpu.dma_semaphore, #tpu.memory_space<semaphore_mem>>
      %dma_start3A = arith.constant 0 : i32
      %dma_start3A_9 = tpu.memref_slice %arg6[%arg0, %multiple_of3A, %dma_start3A] : memref<2x10112x32xf32, #tpu.memory_space<hbm>> -> memref<1x632x32xf32, #tpu.memory_space<hbm>>
      %dma_start3A_10 = tpu.memref_squeeze %dma_start3A_9 : memref<1x632x32xf32, #tpu.memory_space<hbm>> -> memref<632x32xf32, #tpu.memory_space<hbm>>
      %dma_start3A_11 = arith.constant 0 : i32
      %dma_start3A_12 = tpu.memref_slice %arg10[%multiple_of3A, %dma_start3A_11] : memref<10112x32xf32, #tpu.memory_space<vmem_shared>> -> memref<632x32xf32, #tpu.memory_space<vmem_shared>>
      tpu.enqueue_dma source(%dma_start3A_12 : memref<632x32xf32, #tpu.memory_space<vmem_shared>>) target(%dma_start3A_10 : memref<632x32xf32, #tpu.memory_space<hbm>>) target_semaphore(%run_scoped3A : memref<!tpu.dma_semaphore, #tpu.memory_space<semaphore_mem>>)
      %dma_wait3A = arith.constant 0 : i32
      %dma_wait3A_13 = tpu.memref_slice %arg6[%arg0, %multiple_of3A, %dma_wait3A] : memref<2x10112x32xf32, #tpu.memory_space<hbm>> -> memref<1x632x32xf32, #tpu.memory_space<hbm>>
      %dma_wait3A_14 = tpu.memref_squeeze %dma_wait3A_13 : memref<1x632x32xf32, #tpu.memory_space<hbm>> -> memref<632x32xf32, #tpu.memory_space<hbm>>
      %dma_wait3A_15 = arith.constant 0 : i32
      %dma_wait3A_16 = tpu.memref_slice %arg10[%multiple_of3A, %dma_wait3A_15] : memref<10112x32xf32, #tpu.memory_space<vmem_shared>> -> memref<632x32xf32, #tpu.memory_space<vmem_shared>>
      tpu.wait_dma2 semaphore(%run_scoped3A : memref<!tpu.dma_semaphore, #tpu.memory_space<semaphore_mem>>) src(%dma_wait3A_16 : memref<632x32xf32, #tpu.memory_space<vmem_shared>>) dst(%dma_wait3A_14 : memref<632x32xf32, #tpu.memory_space<hbm>>)
      tpu.yield
    }) : () -> ()
    return
  }
}

module attributes {stable_mosaic.version = 14 : i64} {
  func.func @_proj_body(%arg0: memref<10000x128xf32, #tpu.memory_space<vmem>>, %arg1: memref<128x32xf32, #tpu.memory_space<vmem>>, %arg2: memref<10000x32xf32, #tpu.memory_space<vmem>>) attributes {dimension_semantics = [], scalar_prefetch = 0 : i64, scratch_operands = 0 : i64, tpu.core_type = #tpu.core_type<tc>} {
    %get3A = arith.constant 0 : index
    %get3A_0 = arith.constant 0 : index
    %get3A_1 = vector.load %arg0[%get3A, %get3A_0] : memref<10000x128xf32, #tpu.memory_space<vmem>>, vector<10000x128xf32>
    %get3A_2 = arith.constant 0 : index
    %get3A_3 = arith.constant 0 : index
    %get3A_4 = vector.load %arg1[%get3A_2, %get3A_3] : memref<128x32xf32, #tpu.memory_space<vmem>>, vector<128x32xf32>
    %dot_general3A = arith.constant dense<0.000000e+00> : vector<10000x32xf32>
    %dot_general3A_5 = tpu.matmul %get3A_1, %get3A_4, %dot_general3A {dimension_numbers = #tpu.dot_dimension_numbers<[1], [0], [0], [1], [0, 0, 1, 1], [], []>, transpose_lhs_hint = false} : vector<10000x128xf32>, vector<128x32xf32>, vector<10000x32xf32> -> vector<10000x32xf32>
    %swap3A = arith.constant 0 : index
    %swap3A_6 = arith.constant 0 : index
    %swap3A_7 = vector.load %arg2[%swap3A, %swap3A_6] : memref<10000x32xf32, #tpu.memory_space<vmem>>, vector<10000x32xf32>
    tpu.vector_store %arg2[%swap3A, %swap3A_6], %dot_general3A_5 {strides = array<i32>} : memref<10000x32xf32, #tpu.memory_space<vmem>>, vector<10000x32xf32>,
    return
  }
}

module attributes {stable_mosaic.version = 14 : i64} {
  func.func @_mid_body(%arg0: memref<10000x32xf32, #tpu.memory_space<vmem>>, %arg1: memref<2x10112x32xf32, #tpu.memory_space<vmem>>, %arg2: memref<1x32xf32, #tpu.memory_space<vmem>>, %arg3: memref<32x32xf32, #tpu.memory_space<vmem>>, %arg4: memref<1x32xf32, #tpu.memory_space<vmem>>, %arg5: memref<1x32xf32, #tpu.memory_space<vmem>>, %arg6: memref<1x32xf32, #tpu.memory_space<vmem>>, %arg7: memref<32x32xf32, #tpu.memory_space<vmem>>, %arg8: memref<10000x32xf32, #tpu.memory_space<vmem>>) attributes {dimension_semantics = [], scalar_prefetch = 0 : i64, scratch_operands = 0 : i64, tpu.core_type = #tpu.core_type<tc>} {
    %get3A = arith.constant 0 : index
    %get3A_0 = arith.constant 0 : index
    %get3A_1 = vector.load %arg0[%get3A, %get3A_0] : memref<10000x32xf32, #tpu.memory_space<vmem>>, vector<10000x32xf32>
    %get3A_2 = arith.constant 0 : index
    %get3A_3 = arith.constant 0 : index
    %get3A_4 = arith.constant 0 : index
    %get3A_5 = vector.load %arg1[%get3A_2, %get3A_3, %get3A_4] : memref<2x10112x32xf32, #tpu.memory_space<vmem>>, vector<1x10000x32xf32>
    %get3A_6 = vector.shape_cast %get3A_5 : vector<1x10000x32xf32> to vector<10000x32xf32>
    %add3A = arith.addf %get3A_1, %get3A_6 : vector<10000x32xf32>
    %get3A_7 = arith.constant 1 : index
    %get3A_8 = arith.constant 0 : index
    %get3A_9 = arith.constant 0 : index
    %get3A_10 = vector.load %arg1[%get3A_7, %get3A_8, %get3A_9] : memref<2x10112x32xf32, #tpu.memory_space<vmem>>, vector<1x10000x32xf32>
    %get3A_11 = vector.shape_cast %get3A_10 : vector<1x10000x32xf32> to vector<10000x32xf32>
    %add3A_12 = arith.addf %add3A, %get3A_11 : vector<10000x32xf32>
    %get3A_13 = arith.constant 0 : index
    %get3A_14 = arith.constant 0 : index
    %get3A_15 = vector.load %arg2[%get3A_13, %get3A_14] : memref<1x32xf32, #tpu.memory_space<vmem>>, vector<1x32xf32>
    %add3A_16 = vector.broadcast %get3A_15 : vector<1x32xf32> to vector<10000x32xf32>
    %add3A_17 = arith.addf %add3A_12, %add3A_16 : vector<10000x32xf32>
    %max3A = arith.constant 0.000000e+00 : f32
    %max3A_18 = vector.broadcast %max3A : f32 to vector<10000x32xf32>
    %max3A_19 = arith.maximumf %add3A_17, %max3A_18 : vector<10000x32xf32>
    %get3A_20 = arith.constant 0 : index
    %get3A_21 = arith.constant 0 : index
    %get3A_22 = vector.load %arg3[%get3A_20, %get3A_21] : memref<32x32xf32, #tpu.memory_space<vmem>>, vector<32x32xf32>
    %dot_general3A = arith.constant dense<0.000000e+00> : vector<10000x32xf32>
    %dot_general3A_23 = tpu.matmul %max3A_19, %get3A_22, %dot_general3A {dimension_numbers = #tpu.dot_dimension_numbers<[1], [0], [0], [1], [0, 0, 1, 1], [], []>, transpose_lhs_hint = false} : vector<10000x32xf32>, vector<32x32xf32>, vector<10000x32xf32> -> vector<10000x32xf32>
    %get3A_24 = arith.constant 0 : index
    %get3A_25 = arith.constant 0 : index
    %get3A_26 = vector.load %arg4[%get3A_24, %get3A_25] : memref<1x32xf32, #tpu.memory_space<vmem>>, vector<1x32xf32>
    %add3A_27 = vector.broadcast %get3A_26 : vector<1x32xf32> to vector<10000x32xf32>
    %add3A_28 = arith.addf %dot_general3A_23, %add3A_27 : vector<10000x32xf32>
    %max3A_29 = arith.constant 0.000000e+00 : f32
    %max3A_30 = vector.broadcast %max3A_29 : f32 to vector<10000x32xf32>
    %max3A_31 = arith.maximumf %add3A_28, %max3A_30 : vector<10000x32xf32>
    %reduce_sum3A = arith.constant dense<0.000000e+00> : vector<32xf32>
    %reduce_sum3A_32 = vector.multi_reduction <add>, %max3A_31, %reduce_sum3A [0] : vector<10000x32xf32> to vector<32xf32>
    %broadcast_in_dim3A = vector.shape_cast %reduce_sum3A_32 : vector<32xf32> to vector<1x32xf32>
    %div3A = arith.constant 1.000000e+04 : f32
    %div3A_33 = vector.broadcast %div3A : f32 to vector<1x32xf32>
    %div3A_34 = arith.divf %broadcast_in_dim3A, %div3A_33 : vector<1x32xf32>
    %sub3A = vector.broadcast %div3A_34 : vector<1x32xf32> to vector<10000x32xf32>
    %sub3A_35 = arith.subf %max3A_31, %sub3A : vector<10000x32xf32>
    %integer_pow3A = arith.mulf %sub3A_35, %sub3A_35 : vector<10000x32xf32>
    %reduce_sum3A_36 = arith.constant dense<0.000000e+00> : vector<32xf32>
    %reduce_sum3A_37 = vector.multi_reduction <add>, %integer_pow3A, %reduce_sum3A_36 [0] : vector<10000x32xf32> to vector<32xf32>
    %broadcast_in_dim3A_38 = vector.shape_cast %reduce_sum3A_37 : vector<32xf32> to vector<1x32xf32>
    %div3A_39 = arith.constant 1.000000e+04 : f32
    %div3A_40 = vector.broadcast %div3A_39 : f32 to vector<1x32xf32>
    %div3A_41 = arith.divf %broadcast_in_dim3A_38, %div3A_40 : vector<1x32xf32>
    %sub3A_42 = vector.broadcast %div3A_34 : vector<1x32xf32> to vector<10000x32xf32>
    %sub3A_43 = arith.subf %max3A_31, %sub3A_42 : vector<10000x32xf32>
    %add3A_44 = arith.constant 1.000000e-03 : f32
    %add3A_45 = vector.broadcast %add3A_44 : f32 to vector<1x32xf32>
    %add3A_46 = arith.addf %div3A_41, %add3A_45 : vector<1x32xf32>
    %rsqrt3A = math.rsqrt %add3A_46 : vector<1x32xf32>
    %mul3A = vector.broadcast %rsqrt3A : vector<1x32xf32> to vector<10000x32xf32>
    %mul3A_47 = arith.mulf %sub3A_43, %mul3A : vector<10000x32xf32>
    %get3A_48 = arith.constant 0 : index
    %get3A_49 = arith.constant 0 : index
    %get3A_50 = vector.load %arg5[%get3A_48, %get3A_49] : memref<1x32xf32, #tpu.memory_space<vmem>>, vector<1x32xf32>
    %mul3A_51 = vector.broadcast %get3A_50 : vector<1x32xf32> to vector<10000x32xf32>
    %mul3A_52 = arith.mulf %mul3A_47, %mul3A_51 : vector<10000x32xf32>
    %get3A_53 = arith.constant 0 : index
    %get3A_54 = arith.constant 0 : index
    %get3A_55 = vector.load %arg6[%get3A_53, %get3A_54] : memref<1x32xf32, #tpu.memory_space<vmem>>, vector<1x32xf32>
    %add3A_56 = vector.broadcast %get3A_55 : vector<1x32xf32> to vector<10000x32xf32>
    %add3A_57 = arith.addf %mul3A_52, %add3A_56 : vector<10000x32xf32>
    %max3A_58 = arith.constant 0.000000e+00 : f32
    %max3A_59 = vector.broadcast %max3A_58 : f32 to vector<10000x32xf32>
    %max3A_60 = arith.maximumf %add3A_57, %max3A_59 : vector<10000x32xf32>
    %get3A_61 = arith.constant 0 : index
    %get3A_62 = arith.constant 0 : index
    %get3A_63 = vector.load %arg7[%get3A_61, %get3A_62] : memref<32x32xf32, #tpu.memory_space<vmem>>, vector<32x32xf32>
    %dot_general3A_64 = arith.constant dense<0.000000e+00> : vector<10000x32xf32>
    %dot_general3A_65 = tpu.matmul %max3A_60, %get3A_63, %dot_general3A_64 {dimension_numbers = #tpu.dot_dimension_numbers<[1], [0], [0], [1], [0, 0, 1, 1], [], []>, transpose_lhs_hint = false} : vector<10000x32xf32>, vector<32x32xf32>, vector<10000x32xf32> -> vector<10000x32xf32>
    %swap3A = arith.constant 0 : index
    %swap3A_66 = arith.constant 0 : index
    %swap3A_67 = vector.load %arg8[%swap3A, %swap3A_66] : memref<10000x32xf32, #tpu.memory_space<vmem>>, vector<10000x32xf32>
    tpu.vector_store %arg8[%swap3A, %swap3A_66], %dot_general3A_65 {strides = array<i32>} : memref<10000x32xf32, #tpu.memory_space<vmem>>, vector<10000x32xf32>,
    return
  }
}

module attributes {stable_mosaic.version = 14 : i64} {
  func.func @_head_body(%arg0: memref<10000x32xf32, #tpu.memory_space<vmem>>, %arg1: memref<2x10112x32xf32, #tpu.memory_space<vmem>>, %arg2: memref<1x32xf32, #tpu.memory_space<vmem>>, %arg3: memref<32x32xf32, #tpu.memory_space<vmem>>, %arg4: memref<1x32xf32, #tpu.memory_space<vmem>>, %arg5: memref<1x32xf32, #tpu.memory_space<vmem>>, %arg6: memref<1x32xf32, #tpu.memory_space<vmem>>, %arg7: memref<1x10000xi32, #tpu.memory_space<vmem>>, %arg8: memref<32x32xf32, #tpu.memory_space<vmem>>, %arg9: memref<1x32xf32, #tpu.memory_space<vmem>>, %arg10: memref<32x2xf32, #tpu.memory_space<vmem>>, %arg11: memref<1x2xf32, #tpu.memory_space<vmem>>, %arg12: memref<64x2xf32, #tpu.memory_space<vmem>>) attributes {dimension_semantics = [], scalar_prefetch = 0 : i64, scratch_operands = 0 : i64, tpu.core_type = #tpu.core_type<tc>} {
    %get3A = arith.constant 0 : index
    %get3A_0 = arith.constant 0 : index
    %get3A_1 = vector.load %arg0[%get3A, %get3A_0] : memref<10000x32xf32, #tpu.memory_space<vmem>>, vector<10000x32xf32>
    %get3A_2 = arith.constant 0 : index
    %get3A_3 = arith.constant 0 : index
    %get3A_4 = arith.constant 0 : index
    %get3A_5 = vector.load %arg1[%get3A_2, %get3A_3, %get3A_4] : memref<2x10112x32xf32, #tpu.memory_space<vmem>>, vector<1x10000x32xf32>
    %get3A_6 = vector.shape_cast %get3A_5 : vector<1x10000x32xf32> to vector<10000x32xf32>
    %add3A = arith.addf %get3A_1, %get3A_6 : vector<10000x32xf32>
    %get3A_7 = arith.constant 1 : index
    %get3A_8 = arith.constant 0 : index
    %get3A_9 = arith.constant 0 : index
    %get3A_10 = vector.load %arg1[%get3A_7, %get3A_8, %get3A_9] : memref<2x10112x32xf32, #tpu.memory_space<vmem>>, vector<1x10000x32xf32>
    %get3A_11 = vector.shape_cast %get3A_10 : vector<1x10000x32xf32> to vector<10000x32xf32>
    %add3A_12 = arith.addf %add3A, %get3A_11 : vector<10000x32xf32>
    %get3A_13 = arith.constant 0 : index
    %get3A_14 = arith.constant 0 : index
    %get3A_15 = vector.load %arg2[%get3A_13, %get3A_14] : memref<1x32xf32, #tpu.memory_space<vmem>>, vector<1x32xf32>
    %add3A_16 = vector.broadcast %get3A_15 : vector<1x32xf32> to vector<10000x32xf32>
    %add3A_17 = arith.addf %add3A_12, %add3A_16 : vector<10000x32xf32>
    %max3A = arith.constant 0.000000e+00 : f32
    %max3A_18 = vector.broadcast %max3A : f32 to vector<10000x32xf32>
    %max3A_19 = arith.maximumf %add3A_17, %max3A_18 : vector<10000x32xf32>
    %get3A_20 = arith.constant 0 : index
    %get3A_21 = arith.constant 0 : index
    %get3A_22 = vector.load %arg3[%get3A_20, %get3A_21] : memref<32x32xf32, #tpu.memory_space<vmem>>, vector<32x32xf32>
    %dot_general3A = arith.constant dense<0.000000e+00> : vector<10000x32xf32>
    %dot_general3A_23 = tpu.matmul %max3A_19, %get3A_22, %dot_general3A {dimension_numbers = #tpu.dot_dimension_numbers<[1], [0], [0], [1], [0, 0, 1, 1], [], []>, transpose_lhs_hint = false} : vector<10000x32xf32>, vector<32x32xf32>, vector<10000x32xf32> -> vector<10000x32xf32>
    %get3A_24 = arith.constant 0 : index
    %get3A_25 = arith.constant 0 : index
    %get3A_26 = vector.load %arg4[%get3A_24, %get3A_25] : memref<1x32xf32, #tpu.memory_space<vmem>>, vector<1x32xf32>
    %add3A_27 = vector.broadcast %get3A_26 : vector<1x32xf32> to vector<10000x32xf32>
    %add3A_28 = arith.addf %dot_general3A_23, %add3A_27 : vector<10000x32xf32>
    %max3A_29 = arith.constant 0.000000e+00 : f32
    %max3A_30 = vector.broadcast %max3A_29 : f32 to vector<10000x32xf32>
    %max3A_31 = arith.maximumf %add3A_28, %max3A_30 : vector<10000x32xf32>
    %reduce_sum3A = arith.constant dense<0.000000e+00> : vector<32xf32>
    %reduce_sum3A_32 = vector.multi_reduction <add>, %max3A_31, %reduce_sum3A [0] : vector<10000x32xf32> to vector<32xf32>
    %broadcast_in_dim3A = vector.shape_cast %reduce_sum3A_32 : vector<32xf32> to vector<1x32xf32>
    %div3A = arith.constant 1.000000e+04 : f32
    %div3A_33 = vector.broadcast %div3A : f32 to vector<1x32xf32>
    %div3A_34 = arith.divf %broadcast_in_dim3A, %div3A_33 : vector<1x32xf32>
    %sub3A = vector.broadcast %div3A_34 : vector<1x32xf32> to vector<10000x32xf32>
    %sub3A_35 = arith.subf %max3A_31, %sub3A : vector<10000x32xf32>
    %integer_pow3A = arith.mulf %sub3A_35, %sub3A_35 : vector<10000x32xf32>
    %reduce_sum3A_36 = arith.constant dense<0.000000e+00> : vector<32xf32>
    %reduce_sum3A_37 = vector.multi_reduction <add>, %integer_pow3A, %reduce_sum3A_36 [0] : vector<10000x32xf32> to vector<32xf32>
    %broadcast_in_dim3A_38 = vector.shape_cast %reduce_sum3A_37 : vector<32xf32> to vector<1x32xf32>
    %div3A_39 = arith.constant 1.000000e+04 : f32
    %div3A_40 = vector.broadcast %div3A_39 : f32 to vector<1x32xf32>
    %div3A_41 = arith.divf %broadcast_in_dim3A_38, %div3A_40 : vector<1x32xf32>
    %sub3A_42 = vector.broadcast %div3A_34 : vector<1x32xf32> to vector<10000x32xf32>
    %sub3A_43 = arith.subf %max3A_31, %sub3A_42 : vector<10000x32xf32>
    %add3A_44 = arith.constant 1.000000e-03 : f32
    %add3A_45 = vector.broadcast %add3A_44 : f32 to vector<1x32xf32>
    %add3A_46 = arith.addf %div3A_41, %add3A_45 : vector<1x32xf32>
    %rsqrt3A = math.rsqrt %add3A_46 : vector<1x32xf32>
    %mul3A = vector.broadcast %rsqrt3A : vector<1x32xf32> to vector<10000x32xf32>
    %mul3A_47 = arith.mulf %sub3A_43, %mul3A : vector<10000x32xf32>
    %get3A_48 = arith.constant 0 : index
    %get3A_49 = arith.constant 0 : index
    %get3A_50 = vector.load %arg5[%get3A_48, %get3A_49] : memref<1x32xf32, #tpu.memory_space<vmem>>, vector<1x32xf32>
    %mul3A_51 = vector.broadcast %get3A_50 : vector<1x32xf32> to vector<10000x32xf32>
    %mul3A_52 = arith.mulf %mul3A_47, %mul3A_51 : vector<10000x32xf32>
    %get3A_53 = arith.constant 0 : index
    %get3A_54 = arith.constant 0 : index
    %get3A_55 = vector.load %arg6[%get3A_53, %get3A_54] : memref<1x32xf32, #tpu.memory_space<vmem>>, vector<1x32xf32>
    %add3A_56 = vector.broadcast %get3A_55 : vector<1x32xf32> to vector<10000x32xf32>
    %add3A_57 = arith.addf %mul3A_52, %add3A_56 : vector<10000x32xf32>
    %max3A_58 = arith.constant 0.000000e+00 : f32
    %max3A_59 = vector.broadcast %max3A_58 : f32 to vector<10000x32xf32>
    %max3A_60 = arith.maximumf %add3A_57, %max3A_59 : vector<10000x32xf32>
    %iota3A = tpu.iota {dimensions = array<i32: 0>} : vector<64x10000xi32>
    %get3A_61 = arith.constant 0 : index
    %get3A_62 = arith.constant 0 : index
    %get3A_63 = vector.load %arg7[%get3A_61, %get3A_62] : memref<1x10000xi32, #tpu.memory_space<vmem>>, vector<1x10000xi32>
    %eq3A = vector.broadcast %get3A_63 : vector<1x10000xi32> to vector<64x10000xi32>
    %eq3A_64 = arith.cmpi eq, %iota3A, %eq3A : vector<64x10000xi32>
    %convert_element_type3A = arith.extui %eq3A_64 : vector<64x10000xi1> to vector<64x10000xi32>
    %convert_element_type3A_65 = arith.sitofp %convert_element_type3A : vector<64x10000xi32> to vector<64x10000xf32>
    %dot_general3A_66 = arith.constant dense<0.000000e+00> : vector<64x32xf32>
    %dot_general3A_67 = tpu.matmul %convert_element_type3A_65, %max3A_60, %dot_general3A_66 {dimension_numbers = #tpu.dot_dimension_numbers<[1], [0], [0], [1], [0, 0, 1, 1], [], []>, transpose_lhs_hint = false} : vector<64x10000xf32>, vector<10000x32xf32>, vector<64x32xf32> -> vector<64x32xf32>
    %get3A_68 = arith.constant 0 : index
    %get3A_69 = arith.constant 0 : index
    %get3A_70 = vector.load %arg8[%get3A_68, %get3A_69] : memref<32x32xf32, #tpu.memory_space<vmem>>, vector<32x32xf32>
    %dot_general3A_71 = arith.constant dense<0.000000e+00> : vector<64x32xf32>
    %dot_general3A_72 = tpu.matmul %dot_general3A_67, %get3A_70, %dot_general3A_71 {dimension_numbers = #tpu.dot_dimension_numbers<[1], [0], [0], [1], [0, 0, 1, 1], [], []>, transpose_lhs_hint = false} : vector<64x32xf32>, vector<32x32xf32>, vector<64x32xf32> -> vector<64x32xf32>
    %get3A_73 = arith.constant 0 : index
    %get3A_74 = arith.constant 0 : index
    %get3A_75 = vector.load %arg9[%get3A_73, %get3A_74] : memref<1x32xf32, #tpu.memory_space<vmem>>, vector<1x32xf32>
    %add3A_76 = vector.broadcast %get3A_75 : vector<1x32xf32> to vector<64x32xf32>
    %add3A_77 = arith.addf %dot_general3A_72, %add3A_76 : vector<64x32xf32>
    %max3A_78 = arith.constant 0.000000e+00 : f32
    %max3A_79 = vector.broadcast %max3A_78 : f32 to vector<64x32xf32>
    %max3A_80 = arith.maximumf %add3A_77, %max3A_79 : vector<64x32xf32>
    %get3A_81 = arith.constant 0 : index
    %get3A_82 = arith.constant 0 : index
    %get3A_83 = vector.load %arg10[%get3A_81, %get3A_82] : memref<32x2xf32, #tpu.memory_space<vmem>>, vector<32x2xf32>
    %dot_general3A_84 = arith.constant dense<0.000000e+00> : vector<64x2xf32>
    %dot_general3A_85 = tpu.matmul %max3A_80, %get3A_83, %dot_general3A_84 {dimension_numbers = #tpu.dot_dimension_numbers<[1], [0], [0], [1], [0, 0, 1, 1], [], []>, transpose_lhs_hint = false} : vector<64x32xf32>, vector<32x2xf32>, vector<64x2xf32> -> vector<64x2xf32>
    %get3A_86 = arith.constant 0 : index
    %get3A_87 = arith.constant 0 : index
    %get3A_88 = vector.load %arg11[%get3A_86, %get3A_87] : memref<1x2xf32, #tpu.memory_space<vmem>>, vector<1x2xf32>
    %add3A_89 = vector.broadcast %get3A_88 : vector<1x2xf32> to vector<64x2xf32>
    %add3A_90 = arith.addf %dot_general3A_85, %add3A_89 : vector<64x2xf32>
    %reduce_max3A = arith.constant dense<0xFF800000> : vector<64xf32>
    %reduce_max3A_91 = vector.multi_reduction <maximumf>, %add3A_90, %reduce_max3A [1] : vector<64x2xf32> to vector<64xf32>
    %broadcast_in_dim3A_92 = vector.shape_cast %reduce_max3A_91 : vector<64xf32> to vector<64x1xf32>
    %sub3A_93 = vector.broadcast %broadcast_in_dim3A_92 : vector<64x1xf32> to vector<64x2xf32>
    %sub3A_94 = arith.subf %add3A_90, %sub3A_93 : vector<64x2xf32>
    %exp3A = math.exp %sub3A_94 : vector<64x2xf32>
    %reduce_sum3A_95 = arith.constant dense<0.000000e+00> : vector<64xf32>
    %reduce_sum3A_96 = vector.multi_reduction <add>, %exp3A, %reduce_sum3A_95 [1] : vector<64x2xf32> to vector<64xf32>
    %broadcast_in_dim3A_97 = vector.shape_cast %reduce_sum3A_96 : vector<64xf32> to vector<64x1xf32>
    %div3A_98 = vector.broadcast %broadcast_in_dim3A_97 : vector<64x1xf32> to vector<64x2xf32>
    %div3A_99 = arith.divf %exp3A, %div3A_98 : vector<64x2xf32>
    %swap3A = arith.constant 0 : index
    %swap3A_100 = arith.constant 0 : index
    %swap3A_101 = vector.load %arg12[%swap3A, %swap3A_100] : memref<64x2xf32, #tpu.memory_space<vmem>>, vector<64x2xf32>
    tpu.vector_store %arg12[%swap3A, %swap3A_100], %div3A_99 {strides = array<i32>} : memref<64x2xf32, #tpu.memory_space<vmem>>, vector<64x2xf32>,
    return
  }
}

</mosaic_0001>

<sc_bundles>
// kernel: kernel.10.cloned.1.call-start
scs
__scs_entry_jumppad:
0x0: {  	(pc) =	sbr.rel $0x88, $3  }
0x1: {  	(tag) =	ssettag $0x0;
	lr =	simm.s32 $0x1  }
0x2: {  	[smem:$0x3F8E] =	sst lr;
	_ =	strace $0xD0000000  }
0x3: {  	_ = 	snop  }
0x4: {  	_ = 	snop  }
0x5: {  	_ = 	snop  }
0x6: {  	_ = 	snop  }
0x7: {  	_ = 	snop  }
__scs_overlays_trampoline_lowered:
0x8: {  	[smem:$0x3F9D] =	sst s0  }
0x9: {  	[smem:$0x3F9E] =	sst s1  }
0xa: {  	[smem:$0x3F9F] =	sst s2  }
0xb: {  	[smem:$0x3FA0] =	sst s3  }
0xc: {  	[smem:$0x3FA1] =	sst s4  }
0xd: {  	[smem:$0x3FA2] =	sst s5  }
0xe: {  	[smem:$0x3FA3] =	sst s6  }
0xf: {  	[smem:$0x3FA4] =	sst s7  }
0x10: {  	[smem:$0x3FA5] =	sst s8  }
0x11: {  	[smem:$0x3FA6] =	sst s9;
	s0 =	simm.s32 @!p0 $0x0  }
0x12: {  	s1 =	sld [smem:$0x3F8C];
	s0 =	simm.s32 @p0 $0x1  }
0x13: {  	[smem:$0x3FA7] =	sst s0;
	s0 =	simm.s32 @!p1 $0x0  }
0x14: {  	s2 =	sld [smem:$0x3F8B];
	s0 =	simm.s32 @p1 $0x1  }
0x15: {  	[smem:$0x3FA8] =	sst s0;
	s0 =	simm.s32 @!p2 $0x0  }
0x16: {  	s3 =	sld [smem:$0x3FDB];
	s0 =	simm.s32 @p2 $0x1  }
0x17: {  	s4 =	simm.s32 $0x1BF5;
	[smem:$0x3FAA] =	sst s0  }
0x18: {  	s0 =	sld [smem:$0x3F8D];
	_ =	swait.ge [sflag:s4], $0x0  }
0x19: {  	s7 =	sld [smem:$0x3F8E]  }
0x1a: {  	s8 =	sadd.s32 $0xFFFFE003, lr  }
0x1b: {  	s9 =	sadd.s32 $0xFFFFFEF7, lr;
	s5 =	simm.s32 $0xFFFFFFFF;
	p2 =	slt.u32 s8, $0xFFFFF086  }
0x1c: {  	p1 =	slt.u32 s9, $0xF7A;
	s5 =	simm.s32 @!p2 $0x0  }
0x1d: {  	s5 =	simm.s32 @p1 $0x1;
	p0 =	seq.s32 s7, s2  }
0x1e: {  	s7 =	smul.u32 @!p0 $0xF7A, s2;
	p2 =	seq.s32 @!p0 s5, $0x0  }
0x1f: {  	s9 =	smul.u32 $0xF7A, s1;
	s8 =	simm.s32 @!p0 $0x1BF5;
	p2 =	por !p2, p0  }
0x20: {  	[sflag:s8] =	ssyncset.s32 @!p0 $0xFFFFF086;
	s6 =	sadd.s32 @!p0 s3, s7;
	s7 =	simm.s32 @!p0 $0x108  }
0x21: {  	s3 =	sadd.s32 s3, s9;
	s6 =	sadd.s32 @!p0 $0x88, s6;
	s7 =	simm.s32 @p2 $0x1082  }
0x22: {  	[simem:s7], [sflag:s8] =	dma.local @!p0 [hbm:s6], $0xF7A  }
0x23: {  	s9 =	sor.u32 $0xD0000000, s2;
	s6 =	simm.s32 $0x108;
	_ =	swait.ge @!p0 [sflag:s8], $0x0  }
0x24: {  	s3 =	sadd.s32 $0x88, s3;
	s6 =	simm.s32 @!p1 $0x1082;
	[sflag:s4] =	ssyncset.s32 $0xFFFFF086  }
0x25: {  	[simem:s6], [sflag:s4] =	dma.local [hbm:s3], $0xF7A  }
0x26: {  	[smem:$0x3F8E] =	sst s1;
	(tag) =	ssettag s2;
	_ =	strace s9  }
0x27: {  	s1 =	sld [smem:$0x3F9E]  }
0x28: {  	s2 =	sld [smem:$0x3F9F]  }
0x29: {  	s4 =	sld [smem:$0x3FA1]  }
0x2a: {  	p0 =	seq.s32 s5, $0x0;
	s5 =	sld [smem:$0x3FA2]  }
0x2b: {  	s6 =	sld [smem:$0x3FA3]  }
0x2c: {  	s7 =	sld [smem:$0x3FA4]  }
0x2d: {  	s3 =	simm.s32 $0x108;
	s8 =	sld [smem:$0x3FA5]  }
0x2e: {  	s3 =	simm.s32 @!p0 $0x1082;
	s9 =	sld [smem:$0x3FA6]  }
0x2f: {  	lr =	sadd.s32 s0, s3;
	s0 =	sld [smem:$0x3F9D]  }
0x30: {  	s3 =	sld [smem:$0x3FA0]  }
0x31: {  	[smem:$0x3FA9] =	sst s10  }
0x32: {  	s10 =	sld [smem:$0x3FA7];
	_ =	sdelay $0x3  }
0x33: {  	p0 =	seq.s32 s10, $0x1;
	s10 =	sld [smem:$0x3FA9];
	_ =	sdelay $0x3  }
0x34: {  	[smem:$0x3FA9] =	sst s10  }
0x35: {  	s10 =	sld [smem:$0x3FA8];
	_ =	sdelay $0x3  }
0x36: {  	p1 =	seq.s32 s10, $0x1;
	s10 =	sld [smem:$0x3FA9];
	_ =	sdelay $0x3  }
0x37: {  	[smem:$0x3FA9] =	sst s10  }
0x38: {  	s10 =	sld [smem:$0x3FAA]  }
0x39: {  	_ = 	snop;
	(pc) =	sbr.ind lr, $3  }
0x3a: {  	_ = 	snop  }
0x3b: {  	_ = 	snop  }
0x3c: {  	p2 =	seq.s32 s10, $0x1;
	s10 =	sld [smem:$0x3FA9]  }
0x3d: {  	_ =	shalt  }
0x3e: {  	_ =	shalt  }
0x3f: {  	_ =	shalt  }
0x40: {  	_ =	shalt  }
0x41: {  	_ =	shalt  }
0x42: {  	_ =	shalt  }
0x43: {  	_ =	shalt  }
0x44: {  	_ =	shalt  }
0x45: {  	_ =	shalt  }
0x46: {  	_ =	shalt  }
0x47: {  	_ =	shalt  }
0x48: {  	_ =	shalt  }
0x49: {  	_ =	shalt  }
0x4a: {  	_ =	shalt  }
0x4b: {  	_ =	shalt  }
0x4c: {  	_ =	shalt  }
0x4d: {  	_ =	shalt  }
0x4e: {  	_ =	shalt  }
0x4f: {  	_ =	shalt  }
0x50: {  	_ =	shalt  }
0x51: {  	_ =	shalt  }
0x52: {  	_ =	shalt  }
0x53: {  	_ =	shalt  }
0x54: {  	_ =	shalt  }
0x55: {  	_ =	shalt  }
0x56: {  	_ =	shalt  }
0x57: {  	_ =	shalt  }
0x58: {  	_ =	shalt  }
0x59: {  	_ =	shalt  }
0x5a: {  	_ =	shalt  }
0x5b: {  	_ =	shalt  }
0x5c: {  	_ =	shalt  }
0x5d: {  	_ =	shalt  }
0x5e: {  	_ =	shalt  }
0x5f: {  	_ =	shalt  }
0x60: {  	_ =	shalt  }
0x61: {  	_ =	shalt  }
0x62: {  	_ =	shalt  }
0x63: {  	_ =	shalt  }
0x64: {  	_ =	shalt  }
0x65: {  	_ =	shalt  }
0x66: {  	_ =	shalt  }
0x67: {  	_ =	shalt  }
0x68: {  	_ =	shalt  }
0x69: {  	_ =	shalt  }
0x6a: {  	_ =	shalt  }
0x6b: {  	_ =	shalt  }
0x6c: {  	_ =	shalt  }
0x6d: {  	_ =	shalt  }
0x6e: {  	_ =	shalt  }
0x6f: {  	_ =	shalt  }
0x70: {  	_ =	shalt  }
0x71: {  	_ =	shalt  }
0x72: {  	_ =	shalt  }
0x73: {  	_ =	shalt  }
0x74: {  	_ =	shalt  }
0x75: {  	_ =	shalt  }
0x76: {  	_ =	shalt  }
0x77: {  	_ =	shalt  }
0x78: {  	_ =	shalt  }
0x79: {  	_ =	shalt  }
0x7a: {  	_ =	shalt  }
0x7b: {  	_ =	shalt  }
0x7c: {  	_ =	shalt  }
0x7d: {  	_ =	shalt  }
0x7e: {  	_ =	shalt  }
0x7f: {  	_ =	shalt  }
0x80: {  	_ =	shalt  }
0x81: {  	_ =	shalt  }
0x82: {  	_ =	shalt  }
0x83: {  	_ =	shalt  }
0x84: {  	_ =	shalt  }
0x85: {  	_ =	shalt  }
0x86: {  	_ =	shalt  }
0x87: {  	_ =	shalt  }
.Lfunc_end0:
.L_simem_size_0:
called_computation.1_lowered:
.L_overlay_start_0:
0x88: {  	s2 =	sld [smem:$0x3FD9]  }
0x89: {  	s3 =	sld [smem:$0x3FFE];
	_ =	sdelay $0x1  }
0x8a: {  	s1 =	srdreg.scid  }
0x8b: {  	s0 =	sand.u32 $0x1, s1  }
0x8c: {  	s16 =	sshll.u32 s0, $0xA;
	s2 =	sadd.s32 s3, s2  }
0x8d: {  	s2 =	sadd.s32 s2, s16  }
0x8e: {  	[smem:$0x3FB5] =	sst s2  }
0x8f: {  	_ = 	snop  }
0x90: {  	(tm) =	ssettm $0x1  }
0x91: {  	s17 =	sld [smem:$0x3FFB];
	_ =	sdelay $0x3  }
0x92: {  	_ =	strace s17  }
0x93: {  	s2 =	sld [smem:$0x3FFC];
	_ =	sdelay $0x3  }
0x94: {  	_ =	strace s2  }
0x95: {  	s2 =	sld [smem:$0x3FFD];
	_ =	sdelay $0x3  }
0x96: {  	_ =	strace s2  }
0x97: {  	_ =	strace $0x8FFFFFFF  }
0x98: {  	s18 =	sld [smem:$0x3FDB];
	_ =	sdelay $0x1  }
0x99: {  	s19 =	simm.s32 $_scs_section_size  }
0x9a: {  	s4 =	simm.s32 $_size__tile_overlayer_lowered;
	s5 =	simm.s32 $_tile_overlayer_lowered  }
0x9b: {  	s22 =	simm.s32 $0x1BFF;
	s21 =	sshll.u32 s5, $0x1;
	s2 =	sadd.s32 s19, s18  }
0x9c: {  	s6 =	simm.s32 $0x0;
	s20 =	sshll.u32 s4, $0x1;
	s4 =	sadd.s32 s21, s2  }
0x9d: {  	[timem:s6], [sflag:s22] =	dma.local [hbm:s4], s20  }
0x9e: {  	_ =	swait.ge [sflag:s22], s20  }
0x9f: {  	s3 =	ssub.s32 $0x0, s20;
	[sflag:s22] =	ssyncset.done $0x0  }
0xa0: {  	[sflag:s22] =	ssyncadd.s32 s3;
	_ =	sdelay $0x1  }
0xa1: {  	s23 =	simm.s32 $0x1B8B  }
0xa2: {  	_ =	swait.ge [sflag:s23], $0x1  }
0xa3: {  	[sflag:s23] =	ssyncset.done $0x0  }
0xa4: {  	s25 =	simm.s32 $0x1B8E;
	s24 =	sld [smem:$0x3FFE];
	[sflag:s23] =	ssyncadd.s32 $0xFFFFFFFF  }
0xa5: {  	s26 =	simm.s32 $execute0_lowered;
	[smem:$0x3FD2] =	sst s25  }
0xa6: {  	s4 =	sshll.u32 s26, $0x1;
	_ =	strace $0x80000049;
	[dreg:$0x1] =	wrdreg $0xFFFFFFFF  }
0xa7: {  	s28 =	simm.s32 $_size_execute0_lowered;
	s2 =	sadd.s32 s2, s4;
	[dreg:$0x0] =	wrdreg $0x0  }
0xa8: {  	s4 =	sshll.u32 s28, $0x1;
	[dreg:$0x2] =	wrdreg s2  }
0xa9: {  	[dreg:$0x3] =	wrdreg s4  }
0xaa: {  	[dreg:$0x4] =	wrdreg $0xC0  }
0xab: {  	_ =	task [dreg:s6], $0x5FFFF  }
0xac: {  	[dreg:$0x1] =	wrdreg $0xFFFFFFFF  }
0xad: {  	[dreg:$0x0] =	wrdreg $0x60  }
0xae: {  	[dreg:$0x2] =	wrdreg s24  }
0xaf: {  	[dreg:$0x3] =	wrdreg $0x5F000  }
0xb0: {  	[dreg:$0x4] =	wrdreg $0x9  }
0xb1: {  	_ =	task.clear_ibuf [dreg:s6], $0x5FFFF;
	_ =	strace $0x90000049  }
0xb2: {  	s29 =	simm.s32 $0x9;
	_ =	strace $0x8000004B  }
0xb3: {  	_ =	swait.ge [sflag:s29], $0x1  }
0xb4: {  	[sflag:s29] =	ssyncadd.s32 $0xFFFFFFFF  }
0xb5: {  	_ =	strace $0x9000004B  }
0xb6: {  	_ =	sfence  }
0xb7: {  	s30 =	sld [smem:$0x0];
	_ =	sdelay $0x2  }
0xb8: {  	s31 =	sshll.u32 s1, $0xD;
	s1 =	sshrl.u32 s1, $0x2  }
0xb9: {  	s3 =	sand.u32 $0x4000, s31;
	s1 =	sadd.s32 s1, s30  }
0xba: {  	s0 =	sor.u32 s3, s0;
	s1 =	sshll.u32 s1, $0x11  }
0xbb: {  	s0 =	sor.u32 s1, s0  }
0xbc: {  	s0 =	sadd.s32 $0x8F2B, s0  }
0xbd: {  	[sflag:s0] =	ssyncadd.remote.s32 $0x1  }
0xbe: {  	_ =	sfence.sel $0xFFFF  }
0xbf: {  	[dreg:$0x0] =	wrdreg $0xFFFFFFFF;
	(pc) =	sbr.abs _section_cstart, $3  }
0xc0: {  	[dreg:$0x1] =	wrdreg $0xFFFFFFFF  }
0xc1: {  	_ =	task.clear_ibuf [dreg:s6], $0x2FFFF;
	_ =	strace $0x9FFFFFFF  }
0xc2: {  	(tm) =	ssettm $0x7FFFFFFF  }
0xc3: {  	_ =	shalt  }
tec
execute0_lowered:
.L_overlay_start_1:
0x0: {  	(tag) =	ssettag $0x1  }
0x1: {  	s0 =	srdreg.scid;
	s6 =	rddreg [dreg:$0x0]  }
0x2: {  	s2 =	rddreg [dreg:$0x1];
	s3 =	simm.s32 $0x0;
	s14 =	simm.s32 $0x80  }
0x3: {  	s15 =	simm.s32 $0x4F00;
	s5 =	sand.u32 $0x1, s0;
	s0 =	stileid.u32  }
0x4: {  	s16 =	simm.s32 $0x0;
	[smem:$0x7FF] =	sst s3;
	s8 =	smul.u32 $0x4F00, s0  }
0x5: {  	s4 =	sadd.s32 $0x2200, s6;
	s1 =	sshll.u32 s5, $0x4;
	s9 =	smul.u32 $0x4F000, s5  }
0x6: {  	s5 =	ssub.s32 $0x2, s5;
	s31 =	sshll.u32 s0, $0x6;
	s1 =	sor.u32 s0, s1  }
0x7: {  	s30 =	sshrl.u32 s5, $0x1;
	s7 =	smul.u32 $0x4F0, s1;
	s1 =	rddreg [dreg:$0x2]  }
0x8: {  	_ =	strace $0x8000004A;
	s28 =	sadd.s32 s8, s9;
	s29 =	sshrl.u32 s8, $0x3  }
0x9: {  	s12 =	ssub.s32 s5, s30;
	s13 =	sadd.s32 s8, s2;
	s9 =	sadd.s32 s29, s6  }
0xa: {  	s10 =	sadd.s32 s7, s6;
	s7 =	sshrl.u32 s28, $0x3;
	s5 =	sadd.s32 $0x1FC00, s9  }
0xb: {  	s11 =	sadd.s32 s7, s6;
	s6 =	sor.u32 $0x1C01, s31;
	s7 =	sadd.s32 $0x15E00, s10  }
0xc: {  	s8 =	sadd.s32 $0xC000, s10;
	s10 =	smax.u32 s12, $0x1;
	s12 =	simm.s32 $0x1  }
0xd: {  	s9 =	sadd.s32 $0x29A00, s11;
	s11 =	sshrl.u32 s13, $0x3;
	s13 =	simm.s32 $0x2780  }
.LBB2_1:
0xe: {  	[spmem:s11], [sflag:s6] =	dma.local [hbm:s5], $0x9E0  }
0xf: {  	_ =	swait.ge [sflag:s12], $0x9E0  }
0x10: {  	[sflag:s12] =	ssyncset.done $0x0  }
0x11: {  	[sflag:s12] =	ssyncadd.s32 $0xFFFFF620  }
0x12: {  	[tilespmem:s3], [sflag:$0x1] =	stream.linear.gather [hbm4b:s7+s3], $0x2780, $0x38;
	[tilespmem:$0xAE00] =	vst v63  }
0x13: {  	_ =	swait.ge [sflag:s12], $0x2780  }
0x14: {  	[sflag:s12] =	ssyncset.done $0x0  }
0x15: {  	[sflag:s12] =	ssyncadd.s32 $0xFFFFD880  }
0x16: {  	[tilespmem:s13], [sflag:$0x1] =	stream.linear.gather [hbm4b:s8+s3], $0x2780, $0x38;
	[tilespmem:$0xAE00] =	vst v63  }
0x17: {  	_ =	swait.ge [sflag:s12], $0x2780  }
0x18: {  	[sflag:s12] =	ssyncset.done $0x0  }
0x19: {  	[sflag:s12] =	ssyncadd.s32 $0xFFFFD880  }
0x1a: {  	s17 =	simm.s32 $0x0;
	[bflag:$0x0] =	sbarrier.arrive $0xFFFF  }
0x1b: {  	[tilespmem:s15], [sflag:$0x1] =	stream.indirect.gather [hbm4b:s4+s14], $0x20, s17, s14, $0xb8;
	[tilespmem:$0xAE00] =	vst v63  }
0x1c: {  	_ =	swait.ge [sflag:s12], $0x1000  }
0x1d: {  	[sflag:s12] =	ssyncset.done $0x0  }
0x1e: {  	s31 =	simm.s32 $0x2780;
	[sflag:s12] =	ssyncadd.s32 $0xFFFFF000  }
0x1f: {  	[spmem:s2] =	stream.indirect.scatter.add.f32 [tilespmem:s15], [sflag:$0x1], $0x20, s31, s14, $0xb8;
	[tilespmem:$0xAE00] =	vst v63  }
0x20: {  	_ =	swait.ge [sflag:s12], $0x1000  }
0x21: {  	s18 =	simm.s32 $0x400;
	s17 =	simm.s32 $0x200;
	[sflag:s12] =	ssyncset.done $0x0  }
.LBB2_2:
0x22: {  	s19 =	sshra.s32 s17, $0x2  }
0x23: {  	[sflag:s12] =	ssyncadd.s32 $0xFFFFF000;
	s17 =	smov.u32 s18;
	s20 =	sadd.s32 $0x200, s18  }
0x24: {  	[tilespmem:s15], [sflag:$0x1] =	stream.indirect.gather [hbm4b:s4+s14], $0x20, s19, s14, $0xb8;
	[tilespmem:$0xAE00] =	vst v63  }
0x25: {  	p0 =	sne.s32 s18, $0x9C00;
	_ =	swait.ge [sflag:s12], $0x1000  }
.Ltmp0:
0x26: {  	[sflag:s12] =	ssyncset.done $0x0;
	(pc) =	sbr.rel @p0 .LBB2_2-.Ltmp0, $4  }
0x27: {  	s18 =	sadd.s32 $0x2780, s19;
	[sflag:s12] =	ssyncadd.s32 $0xFFFFF000  }
0x28: {  	[spmem:s2] =	stream.indirect.scatter.add.f32 [tilespmem:s15], [sflag:$0x1], $0x20, s18, s14, $0xb8;
	[tilespmem:$0xAE00] =	vst v63  }
0x29: {  	_ =	swait.ge [sflag:s12], $0x1000  }
0x2a: {  	s18 =	smov.u32 s20;
	[sflag:s12] =	ssyncset.done $0x0  }
0x2b: {  	s17 =	sshra.s32 s17, $0x2;
	[sflag:s12] =	ssyncadd.s32 $0xFFFFF000  }
0x2c: {  	[tilespmem:s15], [sflag:$0x1] =	stream.indirect.gather [hbm4b:s4+s14], $0x20, s17, s14, $0xb8;
	[tilespmem:$0xAE00] =	vst v63  }
0x2d: {  	_ =	swait.ge [sflag:s12], $0x1000  }
0x2e: {  	[sflag:s12] =	ssyncset.done $0x0  }
0x2f: {  	s17 =	sadd.s32 $0x2780, s17;
	[sflag:s12] =	ssyncadd.s32 $0xFFFFF000  }
0x30: {  	[spmem:s2] =	stream.indirect.scatter.add.f32 [tilespmem:s15], [sflag:$0x1], $0x20, s17, s14, $0xb8;
	[tilespmem:$0xAE00] =	vst v63  }
0x31: {  	_ =	swait.ge [sflag:s12], $0x1000  }
0x32: {  	s16 =	sadd.s32 $0x1, s16;
	[sflag:s12] =	ssyncset.done $0x0  }
0x33: {  	p0 =	sne.s32 s16, s10;
	[sflag:s12] =	ssyncadd.s32 $0xFFFFF000  }
.Ltmp1:
0x34: {  	[bflag:$0x0] =	sbarrier.arrive $0xFFFF;
	(pc) =	sbr.rel @p0 .LBB2_1-.Ltmp1, $4  }
0x35: {  	[hbm:s9], [sflag:s6] =	dma.local [spmem:s11], $0x9E0  }
0x36: {  	_ =	swait.ge [sflag:s12], $0x9E0  }
0x37: {  	[sflag:s12] =	ssyncset.done $0x0  }
0x38: {  	[sflag:s12] =	ssyncadd.s32 $0xFFFFF620  }
0x39: {  	_ =	sfence.sel $0x180000  }
0x3a: {  	[bflag:$0x0] =	sbarrier.arrive $0xFFFF  }
0x3b: {  	p0 =	sne.s32 s0, $0x0;
	_ =	strace $0x9000004A  }
0x3c: {  	s0 =	sadd.s32 @!p0 $0x100000, s1;
	[bflag:$0x2] =	sbarrier.arrive $0xFFFF  }
0x3d: {  	[sflag:s0] =	ssyncadd.tile.s32 @!p0 $0x1;
	_ =	shalt  }
.Lfunc_end2:
_tile_overlayer_lowered:
.L_overlay_start_2:
0x3e: {  	(tag) =	ssettag $0x2  }
0x3f: {  	s0 =	rddreg [dreg:$0x0];
	s2 =	stileid.u32  }
0x40: {  	s1 =	rddreg [dreg:$0x1];
	p0 =	sne.s32 s2, $0x0  }
0x41: {  	s3 =	rddreg [dreg:$0x2];
	[bflag:$0x3] =	sbarrier.arrive $0xFFFF;
	s2 =	simm.s32 @!p0 $0x1C01  }
0x42: {  	[timem:s3], [sflag:s2] =	dma.local @!p0 [hbm:s0], s1  }
0x43: {  	s0 =	simm.s32 @!p0 $0x1  }
0x44: {  	_ =	swait.ge @!p0 [sflag:s0], s1  }
0x45: {  	s1 =	ssub.s32 @!p0 $0x0, s1;
	[sflag:s0] =	ssyncset.done @!p0 $0x0  }
0x46: {  	[sflag:s0] =	ssyncadd.s32 @!p0 s1  }
0x47: {  	[bflag:$0x3] =	sbarrier.arrive $0xFFFF  }
0x48: {  	_ =	shalt  }

// kernel: kernel.7.cloned.1.call-start
scs
__scs_entry_jumppad:
0x0: {  	(pc) =	sbr.rel $0x88, $3  }
0x1: {  	(tag) =	ssettag $0x0;
	lr =	simm.s32 $0x1  }
0x2: {  	[smem:$0x3F8E] =	sst lr;
	_ =	strace $0xD0000000  }
0x3: {  	_ = 	snop  }
0x4: {  	_ = 	snop  }
0x5: {  	_ = 	snop  }
0x6: {  	_ = 	snop  }
0x7: {  	_ = 	snop  }
__scs_overlays_trampoline_lowered:
0x8: {  	[smem:$0x3F9D] =	sst s0  }
0x9: {  	[smem:$0x3F9E] =	sst s1  }
0xa: {  	[smem:$0x3F9F] =	sst s2  }
0xb: {  	[smem:$0x3FA0] =	sst s3  }
0xc: {  	[smem:$0x3FA1] =	sst s4  }
0xd: {  	[smem:$0x3FA2] =	sst s5  }
0xe: {  	[smem:$0x3FA3] =	sst s6  }
0xf: {  	[smem:$0x3FA4] =	sst s7  }
0x10: {  	[smem:$0x3FA5] =	sst s8  }
0x11: {  	[smem:$0x3FA6] =	sst s9;
	s0 =	simm.s32 @!p0 $0x0  }
0x12: {  	s1 =	sld [smem:$0x3F8C];
	s0 =	simm.s32 @p0 $0x1  }
0x13: {  	[smem:$0x3FA7] =	sst s0;
	s0 =	simm.s32 @!p1 $0x0  }
0x14: {  	s2 =	sld [smem:$0x3F8B];
	s0 =	simm.s32 @p1 $0x1  }
0x15: {  	[smem:$0x3FA8] =	sst s0;
	s0 =	simm.s32 @!p2 $0x0  }
0x16: {  	s3 =	sld [smem:$0x3FDB];
	s0 =	simm.s32 @p2 $0x1  }
0x17: {  	s4 =	simm.s32 $0x1BF5;
	[smem:$0x3FAA] =	sst s0  }
0x18: {  	s0 =	sld [smem:$0x3F8D];
	_ =	swait.ge [sflag:s4], $0x0  }
0x19: {  	s7 =	sld [smem:$0x3F8E]  }
0x1a: {  	s8 =	sadd.s32 $0xFFFFE003, lr  }
0x1b: {  	s9 =	sadd.s32 $0xFFFFFEF7, lr;
	s5 =	simm.s32 $0xFFFFFFFF;
	p2 =	slt.u32 s8, $0xFFFFF086  }
0x1c: {  	p1 =	slt.u32 s9, $0xF7A;
	s5 =	simm.s32 @!p2 $0x0  }
0x1d: {  	s5 =	simm.s32 @p1 $0x1;
	p0 =	seq.s32 s7, s2  }
0x1e: {  	s7 =	smul.u32 @!p0 $0xF7A, s2;
	p2 =	seq.s32 @!p0 s5, $0x0  }
0x1f: {  	s9 =	smul.u32 $0xF7A, s1;
	s8 =	simm.s32 @!p0 $0x1BF5;
	p2 =	por !p2, p0  }
0x20: {  	[sflag:s8] =	ssyncset.s32 @!p0 $0xFFFFF086;
	s6 =	sadd.s32 @!p0 s3, s7;
	s7 =	simm.s32 @!p0 $0x108  }
0x21: {  	s3 =	sadd.s32 s3, s9;
	s6 =	sadd.s32 @!p0 $0x88, s6;
	s7 =	simm.s32 @p2 $0x1082  }
0x22: {  	[simem:s7], [sflag:s8] =	dma.local @!p0 [hbm:s6], $0xF7A  }
0x23: {  	s9 =	sor.u32 $0xD0000000, s2;
	s6 =	simm.s32 $0x108;
	_ =	swait.ge @!p0 [sflag:s8], $0x0  }
0x24: {  	s3 =	sadd.s32 $0x88, s3;
	s6 =	simm.s32 @!p1 $0x1082;
	[sflag:s4] =	ssyncset.s32 $0xFFFFF086  }
0x25: {  	[simem:s6], [sflag:s4] =	dma.local [hbm:s3], $0xF7A  }
0x26: {  	[smem:$0x3F8E] =	sst s1;
	(tag) =	ssettag s2;
	_ =	strace s9  }
0x27: {  	s1 =	sld [smem:$0x3F9E]  }
0x28: {  	s2 =	sld [smem:$0x3F9F]  }
0x29: {  	s4 =	sld [smem:$0x3FA1]  }
0x2a: {  	p0 =	seq.s32 s5, $0x0;
	s5 =	sld [smem:$0x3FA2]  }
0x2b: {  	s6 =	sld [smem:$0x3FA3]  }
0x2c: {  	s7 =	sld [smem:$0x3FA4]  }
0x2d: {  	s3 =	simm.s32 $0x108;
	s8 =	sld [smem:$0x3FA5]  }
0x2e: {  	s3 =	simm.s32 @!p0 $0x1082;
	s9 =	sld [smem:$0x3FA6]  }
0x2f: {  	lr =	sadd.s32 s0, s3;
	s0 =	sld [smem:$0x3F9D]  }
0x30: {  	s3 =	sld [smem:$0x3FA0]  }
0x31: {  	[smem:$0x3FA9] =	sst s10  }
0x32: {  	s10 =	sld [smem:$0x3FA7];
	_ =	sdelay $0x3  }
0x33: {  	p0 =	seq.s32 s10, $0x1;
	s10 =	sld [smem:$0x3FA9];
	_ =	sdelay $0x3  }
0x34: {  	[smem:$0x3FA9] =	sst s10  }
0x35: {  	s10 =	sld [smem:$0x3FA8];
	_ =	sdelay $0x3  }
0x36: {  	p1 =	seq.s32 s10, $0x1;
	s10 =	sld [smem:$0x3FA9];
	_ =	sdelay $0x3  }
0x37: {  	[smem:$0x3FA9] =	sst s10  }
0x38: {  	s10 =	sld [smem:$0x3FAA]  }
0x39: {  	_ = 	snop;
	(pc) =	sbr.ind lr, $3  }
0x3a: {  	_ = 	snop  }
0x3b: {  	_ = 	snop  }
0x3c: {  	p2 =	seq.s32 s10, $0x1;
	s10 =	sld [smem:$0x3FA9]  }
0x3d: {  	_ =	shalt  }
0x3e: {  	_ =	shalt  }
0x3f: {  	_ =	shalt  }
0x40: {  	_ =	shalt  }
0x41: {  	_ =	shalt  }
0x42: {  	_ =	shalt  }
0x43: {  	_ =	shalt  }
0x44: {  	_ =	shalt  }
0x45: {  	_ =	shalt  }
0x46: {  	_ =	shalt  }
0x47: {  	_ =	shalt  }
0x48: {  	_ =	shalt  }
0x49: {  	_ =	shalt  }
0x4a: {  	_ =	shalt  }
0x4b: {  	_ =	shalt  }
0x4c: {  	_ =	shalt  }
0x4d: {  	_ =	shalt  }
0x4e: {  	_ =	shalt  }
0x4f: {  	_ =	shalt  }
0x50: {  	_ =	shalt  }
0x51: {  	_ =	shalt  }
0x52: {  	_ =	shalt  }
0x53: {  	_ =	shalt  }
0x54: {  	_ =	shalt  }
0x55: {  	_ =	shalt  }
0x56: {  	_ =	shalt  }
0x57: {  	_ =	shalt  }
0x58: {  	_ =	shalt  }
0x59: {  	_ =	shalt  }
0x5a: {  	_ =	shalt  }
0x5b: {  	_ =	shalt  }
0x5c: {  	_ =	shalt  }
0x5d: {  	_ =	shalt  }
0x5e: {  	_ =	shalt  }
0x5f: {  	_ =	shalt  }
0x60: {  	_ =	shalt  }
0x61: {  	_ =	shalt  }
0x62: {  	_ =	shalt  }
0x63: {  	_ =	shalt  }
0x64: {  	_ =	shalt  }
0x65: {  	_ =	shalt  }
0x66: {  	_ =	shalt  }
0x67: {  	_ =	shalt  }
0x68: {  	_ =	shalt  }
0x69: {  	_ =	shalt  }
0x6a: {  	_ =	shalt  }
0x6b: {  	_ =	shalt  }
0x6c: {  	_ =	shalt  }
0x6d: {  	_ =	shalt  }
0x6e: {  	_ =	shalt  }
0x6f: {  	_ =	shalt  }
0x70: {  	_ =	shalt  }
0x71: {  	_ =	shalt  }
0x72: {  	_ =	shalt  }
0x73: {  	_ =	shalt  }
0x74: {  	_ =	shalt  }
0x75: {  	_ =	shalt  }
0x76: {  	_ =	shalt  }
0x77: {  	_ =	shalt  }
0x78: {  	_ =	shalt  }
0x79: {  	_ =	shalt  }
0x7a: {  	_ =	shalt  }
0x7b: {  	_ =	shalt  }
0x7c: {  	_ =	shalt  }
0x7d: {  	_ =	shalt  }
0x7e: {  	_ =	shalt  }
0x7f: {  	_ =	shalt  }
0x80: {  	_ =	shalt  }
0x81: {  	_ =	shalt  }
0x82: {  	_ =	shalt  }
0x83: {  	_ =	shalt  }
0x84: {  	_ =	shalt  }
0x85: {  	_ =	shalt  }
0x86: {  	_ =	shalt  }
0x87: {  	_ =	shalt  }
.Lfunc_end0:
.L_simem_size_0:
called_computation_lowered:
.L_overlay_start_0:
0x88: {  	s2 =	sld [smem:$0x3FD9]  }
0x89: {  	s3 =	sld [smem:$0x3FFE];
	_ =	sdelay $0x1  }
0x8a: {  	s1 =	srdreg.scid  }
0x8b: {  	s0 =	sand.u32 $0x1, s1  }
0x8c: {  	s16 =	sshll.u32 s0, $0xA;
	s2 =	sadd.s32 s3, s2  }
0x8d: {  	s2 =	sadd.s32 s2, s16  }
0x8e: {  	[smem:$0x3FB5] =	sst s2  }
0x8f: {  	_ = 	snop  }
0x90: {  	(tm) =	ssettm $0x1  }
0x91: {  	s17 =	sld [smem:$0x3FFB];
	_ =	sdelay $0x3  }
0x92: {  	_ =	strace s17  }
0x93: {  	s2 =	sld [smem:$0x3FFC];
	_ =	sdelay $0x3  }
0x94: {  	_ =	strace s2  }
0x95: {  	s2 =	sld [smem:$0x3FFD];
	_ =	sdelay $0x3  }
0x96: {  	_ =	strace s2  }
0x97: {  	_ =	strace $0x8FFFFFFF  }
0x98: {  	s18 =	sld [smem:$0x3FDB];
	_ =	sdelay $0x1  }
0x99: {  	s19 =	simm.s32 $_scs_section_size  }
0x9a: {  	s4 =	simm.s32 $_size__tile_overlayer_lowered;
	s5 =	simm.s32 $_tile_overlayer_lowered  }
0x9b: {  	s22 =	simm.s32 $0x1BFF;
	s21 =	sshll.u32 s5, $0x1;
	s2 =	sadd.s32 s19, s18  }
0x9c: {  	s6 =	simm.s32 $0x0;
	s20 =	sshll.u32 s4, $0x1;
	s4 =	sadd.s32 s21, s2  }
0x9d: {  	[timem:s6], [sflag:s22] =	dma.local [hbm:s4], s20  }
0x9e: {  	_ =	swait.ge [sflag:s22], s20  }
0x9f: {  	s3 =	ssub.s32 $0x0, s20;
	[sflag:s22] =	ssyncset.done $0x0  }
0xa0: {  	[sflag:s22] =	ssyncadd.s32 s3;
	_ =	sdelay $0x1  }
0xa1: {  	s23 =	simm.s32 $0x1B8B  }
0xa2: {  	_ =	swait.ge [sflag:s23], $0x1  }
0xa3: {  	[sflag:s23] =	ssyncset.done $0x0  }
0xa4: {  	s25 =	simm.s32 $0x1B8E;
	s24 =	sld [smem:$0x3FFE];
	[sflag:s23] =	ssyncadd.s32 $0xFFFFFFFF  }
0xa5: {  	s26 =	simm.s32 $execute0_lowered;
	[smem:$0x3FD2] =	sst s25  }
0xa6: {  	s4 =	sshll.u32 s26, $0x1;
	_ =	strace $0x80000046;
	[dreg:$0x1] =	wrdreg $0xFFFFFFFF  }
0xa7: {  	s28 =	simm.s32 $_size_execute0_lowered;
	s2 =	sadd.s32 s2, s4;
	[dreg:$0x0] =	wrdreg $0x0  }
0xa8: {  	s4 =	sshll.u32 s28, $0x1;
	[dreg:$0x2] =	wrdreg s2  }
0xa9: {  	[dreg:$0x3] =	wrdreg s4  }
0xaa: {  	[dreg:$0x4] =	wrdreg $0xC0  }
0xab: {  	_ =	task [dreg:s6], $0x5FFFF  }
0xac: {  	[dreg:$0x1] =	wrdreg $0xFFFFFFFF  }
0xad: {  	[dreg:$0x0] =	wrdreg $0x60  }
0xae: {  	[dreg:$0x2] =	wrdreg s24  }
0xaf: {  	[dreg:$0x3] =	wrdreg $0x5F000  }
0xb0: {  	[dreg:$0x4] =	wrdreg $0x9  }
0xb1: {  	_ =	task.clear_ibuf [dreg:s6], $0x5FFFF;
	_ =	strace $0x90000046  }
0xb2: {  	s29 =	simm.s32 $0x9;
	_ =	strace $0x80000048  }
0xb3: {  	_ =	swait.ge [sflag:s29], $0x1  }
0xb4: {  	[sflag:s29] =	ssyncadd.s32 $0xFFFFFFFF  }
0xb5: {  	_ =	strace $0x90000048  }
0xb6: {  	_ =	sfence  }
0xb7: {  	s30 =	sld [smem:$0x0];
	_ =	sdelay $0x2  }
0xb8: {  	s31 =	sshll.u32 s1, $0xD;
	s1 =	sshrl.u32 s1, $0x2  }
0xb9: {  	s3 =	sand.u32 $0x4000, s31;
	s1 =	sadd.s32 s1, s30  }
0xba: {  	s0 =	sor.u32 s3, s0;
	s1 =	sshll.u32 s1, $0x11  }
0xbb: {  	s0 =	sor.u32 s1, s0  }
0xbc: {  	s0 =	sadd.s32 $0x8F2B, s0  }
0xbd: {  	[sflag:s0] =	ssyncadd.remote.s32 $0x1  }
0xbe: {  	_ =	sfence.sel $0xFFFF  }
0xbf: {  	[dreg:$0x0] =	wrdreg $0xFFFFFFFF;
	(pc) =	sbr.abs _section_cstart, $3  }
0xc0: {  	[dreg:$0x1] =	wrdreg $0xFFFFFFFF  }
0xc1: {  	_ =	task.clear_ibuf [dreg:s6], $0x2FFFF;
	_ =	strace $0x9FFFFFFF  }
0xc2: {  	(tm) =	ssettm $0x7FFFFFFF  }
0xc3: {  	_ =	shalt  }
tec
execute0_lowered:
.L_overlay_start_1:
0x0: {  	(tag) =	ssettag $0x1  }
0x1: {  	s0 =	srdreg.scid;
	s6 =	rddreg [dreg:$0x0]  }
0x2: {  	s2 =	rddreg [dreg:$0x1];
	s3 =	simm.s32 $0x0;
	s14 =	simm.s32 $0x80  }
0x3: {  	s15 =	simm.s32 $0x4F00;
	s5 =	sand.u32 $0x1, s0;
	s0 =	stileid.u32  }
0x4: {  	s16 =	simm.s32 $0x0;
	[smem:$0x7FF] =	sst s3;
	s8 =	smul.u32 $0x4F00, s0  }
0x5: {  	s4 =	sadd.s32 $0x2200, s6;
	s1 =	sshll.u32 s5, $0x4;
	s9 =	smul.u32 $0x4F000, s5  }
0x6: {  	s5 =	ssub.s32 $0x2, s5;
	s31 =	sshll.u32 s0, $0x6;
	s1 =	sor.u32 s0, s1  }
0x7: {  	s30 =	sshrl.u32 s5, $0x1;
	s7 =	smul.u32 $0x4F0, s1;
	s1 =	rddreg [dreg:$0x2]  }
0x8: {  	_ =	strace $0x80000047;
	s28 =	sadd.s32 s8, s9;
	s29 =	sshrl.u32 s8, $0x3  }
0x9: {  	s12 =	ssub.s32 s5, s30;
	s13 =	sadd.s32 s8, s2;
	s9 =	sadd.s32 s29, s6  }
0xa: {  	s10 =	sadd.s32 s7, s6;
	s7 =	sshrl.u32 s28, $0x3;
	s5 =	sadd.s32 $0x1FC00, s9  }
0xb: {  	s11 =	sadd.s32 s7, s6;
	s6 =	sor.u32 $0x1C01, s31;
	s7 =	sadd.s32 $0x15E00, s10  }
0xc: {  	s8 =	sadd.s32 $0xC000, s10;
	s10 =	smax.u32 s12, $0x1;
	s12 =	simm.s32 $0x1  }
0xd: {  	s9 =	sadd.s32 $0x29A00, s11;
	s11 =	sshrl.u32 s13, $0x3;
	s13 =	simm.s32 $0x2780  }
.LBB2_1:
0xe: {  	[spmem:s11], [sflag:s6] =	dma.local [hbm:s5], $0x9E0  }
0xf: {  	_ =	swait.ge [sflag:s12], $0x9E0  }
0x10: {  	[sflag:s12] =	ssyncset.done $0x0  }
0x11: {  	[sflag:s12] =	ssyncadd.s32 $0xFFFFF620  }
0x12: {  	[tilespmem:s3], [sflag:$0x1] =	stream.linear.gather [hbm4b:s7+s3], $0x2780, $0x38;
	[tilespmem:$0xAE00] =	vst v63  }
0x13: {  	_ =	swait.ge [sflag:s12], $0x2780  }
0x14: {  	[sflag:s12] =	ssyncset.done $0x0  }
0x15: {  	[sflag:s12] =	ssyncadd.s32 $0xFFFFD880  }
0x16: {  	[tilespmem:s13], [sflag:$0x1] =	stream.linear.gather [hbm4b:s8+s3], $0x2780, $0x38;
	[tilespmem:$0xAE00] =	vst v63  }
0x17: {  	_ =	swait.ge [sflag:s12], $0x2780  }
0x18: {  	[sflag:s12] =	ssyncset.done $0x0  }
0x19: {  	[sflag:s12] =	ssyncadd.s32 $0xFFFFD880  }
0x1a: {  	s17 =	simm.s32 $0x0;
	[bflag:$0x0] =	sbarrier.arrive $0xFFFF  }
0x1b: {  	[tilespmem:s15], [sflag:$0x1] =	stream.indirect.gather [hbm4b:s4+s14], $0x20, s17, s14, $0xb8;
	[tilespmem:$0xAE00] =	vst v63  }
0x1c: {  	_ =	swait.ge [sflag:s12], $0x1000  }
0x1d: {  	[sflag:s12] =	ssyncset.done $0x0  }
0x1e: {  	s31 =	simm.s32 $0x2780;
	[sflag:s12] =	ssyncadd.s32 $0xFFFFF000  }
0x1f: {  	[spmem:s2] =	stream.indirect.scatter.add.f32 [tilespmem:s15], [sflag:$0x1], $0x20, s31, s14, $0xb8;
	[tilespmem:$0xAE00] =	vst v63  }
0x20: {  	_ =	swait.ge [sflag:s12], $0x1000  }
0x21: {  	s18 =	simm.s32 $0x400;
	s17 =	simm.s32 $0x200;
	[sflag:s12] =	ssyncset.done $0x0  }
.LBB2_2:
0x22: {  	s19 =	sshra.s32 s17, $0x2  }
0x23: {  	[sflag:s12] =	ssyncadd.s32 $0xFFFFF000;
	s17 =	smov.u32 s18;
	s20 =	sadd.s32 $0x200, s18  }
0x24: {  	[tilespmem:s15], [sflag:$0x1] =	stream.indirect.gather [hbm4b:s4+s14], $0x20, s19, s14, $0xb8;
	[tilespmem:$0xAE00] =	vst v63  }
0x25: {  	p0 =	sne.s32 s18, $0x9C00;
	_ =	swait.ge [sflag:s12], $0x1000  }
.Ltmp0:
0x26: {  	[sflag:s12] =	ssyncset.done $0x0;
	(pc) =	sbr.rel @p0 .LBB2_2-.Ltmp0, $4  }
0x27: {  	s18 =	sadd.s32 $0x2780, s19;
	[sflag:s12] =	ssyncadd.s32 $0xFFFFF000  }
0x28: {  	[spmem:s2] =	stream.indirect.scatter.add.f32 [tilespmem:s15], [sflag:$0x1], $0x20, s18, s14, $0xb8;
	[tilespmem:$0xAE00] =	vst v63  }
0x29: {  	_ =	swait.ge [sflag:s12], $0x1000  }
0x2a: {  	s18 =	smov.u32 s20;
	[sflag:s12] =	ssyncset.done $0x0  }
0x2b: {  	s17 =	sshra.s32 s17, $0x2;
	[sflag:s12] =	ssyncadd.s32 $0xFFFFF000  }
0x2c: {  	[tilespmem:s15], [sflag:$0x1] =	stream.indirect.gather [hbm4b:s4+s14], $0x20, s17, s14, $0xb8;
	[tilespmem:$0xAE00] =	vst v63  }
0x2d: {  	_ =	swait.ge [sflag:s12], $0x1000  }
0x2e: {  	[sflag:s12] =	ssyncset.done $0x0  }
0x2f: {  	s17 =	sadd.s32 $0x2780, s17;
	[sflag:s12] =	ssyncadd.s32 $0xFFFFF000  }
0x30: {  	[spmem:s2] =	stream.indirect.scatter.add.f32 [tilespmem:s15], [sflag:$0x1], $0x20, s17, s14, $0xb8;
	[tilespmem:$0xAE00] =	vst v63  }
0x31: {  	_ =	swait.ge [sflag:s12], $0x1000  }
0x32: {  	s16 =	sadd.s32 $0x1, s16;
	[sflag:s12] =	ssyncset.done $0x0  }
0x33: {  	p0 =	sne.s32 s16, s10;
	[sflag:s12] =	ssyncadd.s32 $0xFFFFF000  }
.Ltmp1:
0x34: {  	[bflag:$0x0] =	sbarrier.arrive $0xFFFF;
	(pc) =	sbr.rel @p0 .LBB2_1-.Ltmp1, $4  }
0x35: {  	[hbm:s9], [sflag:s6] =	dma.local [spmem:s11], $0x9E0  }
0x36: {  	_ =	swait.ge [sflag:s12], $0x9E0  }
0x37: {  	[sflag:s12] =	ssyncset.done $0x0  }
0x38: {  	[sflag:s12] =	ssyncadd.s32 $0xFFFFF620  }
0x39: {  	_ =	sfence.sel $0x180000  }
0x3a: {  	[bflag:$0x0] =	sbarrier.arrive $0xFFFF  }
0x3b: {  	p0 =	sne.s32 s0, $0x0;
	_ =	strace $0x90000047  }
0x3c: {  	s0 =	sadd.s32 @!p0 $0x100000, s1;
	[bflag:$0x2] =	sbarrier.arrive $0xFFFF  }
0x3d: {  	[sflag:s0] =	ssyncadd.tile.s32 @!p0 $0x1;
	_ =	shalt  }
.Lfunc_end2:
_tile_overlayer_lowered:
.L_overlay_start_2:
0x3e: {  	(tag) =	ssettag $0x2  }
0x3f: {  	s0 =	rddreg [dreg:$0x0];
	s2 =	stileid.u32  }
0x40: {  	s1 =	rddreg [dreg:$0x1];
	p0 =	sne.s32 s2, $0x0  }
0x41: {  	s3 =	rddreg [dreg:$0x2];
	[bflag:$0x3] =	sbarrier.arrive $0xFFFF;
	s2 =	simm.s32 @!p0 $0x1C01  }
0x42: {  	[timem:s3], [sflag:s2] =	dma.local @!p0 [hbm:s0], s1  }
0x43: {  	s0 =	simm.s32 @!p0 $0x1  }
0x44: {  	_ =	swait.ge @!p0 [sflag:s0], s1  }
0x45: {  	s1 =	ssub.s32 @!p0 $0x0, s1;
	[sflag:s0] =	ssyncset.done @!p0 $0x0  }
0x46: {  	[sflag:s0] =	ssyncadd.s32 @!p0 s1  }
0x47: {  	[bflag:$0x3] =	sbarrier.arrive $0xFFFF  }
0x48: {  	_ =	shalt  }

</sc_bundles>
